<compile_context>
chip_gen: v7x
topology: tpu7x:2x2x1
jax: 0.10.2.dev20260603
libtpu: 0.0.44.dev20260713+nightly
codegen_flags: <defaults>
</compile_context>

<pallas_src>
import functools

import jax
import jax.numpy as jnp
from jax import lax
from jax.experimental import pallas as pl
from jax.experimental.pallas import tpu as pltpu
from jax.experimental.pallas import tpu_sc as plsc

B = 8192
D = 1024
V = 200


@functools.cache
def _build():
    info = plsc.get_sparse_core_info()
    NC, NS = info.num_cores, info.num_subcores
    NW = NC * NS
    b_per_w = B // NW
    per_sub = V // NS
    tail = V - per_sub * NS
    mesh = plsc.VectorSubcoreMesh(core_axis_name="c", subcore_axis_name="s")

    scratch = [
        pltpu.VMEM_SHARED((V * D,), jnp.float32),
        pltpu.VMEM((b_per_w,), jnp.int32),
        pltpu.SemaphoreType.DMA,
        pltpu.SemaphoreType.DMA,
    ]

    @functools.partial(
        pl.kernel,
        mesh=mesh,
        out_type=jax.ShapeDtypeStruct((B, D), jnp.float32),
        scratch_types=scratch,
    )
    def gather_kernel(idx_hbm, table_hbm, out_hbm, table_sh, idx_v, ssem, wsem):
        sid = lax.axis_index("s")
        wid = sid * NC + lax.axis_index("c")
        base = wid * b_per_w

        stage_cps = [
            pltpu.async_copy(
                table_hbm.at[sid * per_sub + k],
                table_sh.at[pl.ds((sid * per_sub + k) * D, D)],
                ssem,
            )
            for k in range(per_sub)
        ]

        @pl.when(sid == 0)
        def _stage_tail():
            cps = [
                pltpu.async_copy(
                    table_hbm.at[NS * per_sub + k],
                    table_sh.at[pl.ds((NS * per_sub + k) * D, D)],
                    ssem,
                )
                for k in range(tail)
            ]
            for cp in cps:
                cp.wait()

        pltpu.sync_copy(idx_hbm.at[pl.ds(base, b_per_w)], idx_v)
        for cp in stage_cps:
            cp.wait()
        plsc.subcore_barrier()

        def group_copy(h, _):
            v = idx_v[pl.ds(h * 16, 16)]
            for i in range(16):
                pltpu.async_copy(
                    table_sh.at[pl.ds(v[i] * D, D)],
                    out_hbm.at[base + h * 16 + i],
                    wsem,
                )
            return 0

        lax.fori_loop(0, b_per_w // 16, group_copy, 0)

        pltpu.make_async_copy(
            out_hbm.at[pl.ds(0, b_per_w)],
            out_hbm.at[pl.ds(base, b_per_w)],
            wsem,
        ).wait()

    return gather_kernel


def kernel(positions, learned_embeddings):
    positions = positions.astype(jnp.int32)
    return _build()(positions, learned_embeddings)

# --- scband reference (transcript-rebuilt; emitter-appended) ---
"""Pipeline reference for scband-ultra-long-position-embedding-72756745994876 (READ-ONLY COPY).

The authoritative reference and input builder live on the scoring server;
editing this copy changes nothing except your own understanding.
"""

import jax, jax.numpy as jnp
import numpy as np

EMBEDDING_DIM = 1024
LEARNED_LENGTH = 200
SEQ_LEN = 8192

def setup_inputs(seed: int = 0) -> dict:
    key = jax.random.key(seed)
    k_pos, k_tab = jax.random.split(key)
    # positions all < learned_length=200 so the forward takes the learned-embedding branch
    positions = jax.random.randint(k_pos, (SEQ_LEN,), 0, LEARNED_LENGTH, dtype=jnp.int64 if jax.config.jax_enable_x64 else jnp.int32)
    learned_embeddings = jax.random.normal(k_tab, (LEARNED_LENGTH, EMBEDDING_DIM), dtype=jnp.float32)
    return {"positions": positions, "learned_embeddings": learned_embeddings}

def reference(positions, learned_embeddings):
    # max(positions) < learned_length -> nn.Embedding lookup (pure gather)
    # (projection layer is defined in __init__ but never applied in forward)
    return jnp.take(learned_embeddings, positions, axis=0)

if __name__ == "__main__":
    import jax
    _d = setup_inputs()
    print(jax.jit(kernel)(*tuple(_d.values())))

</pallas_src>

<mosaic_0001>
#map = affine_map<(d0, d1) -> (0)>
#map1 = affine_map<(d0, d1) -> (0, 0)>
module attributes {stable_mosaic.version = 14 : i64} {
  func.func @gather_kernel(%arg0: i32, %arg1: i32, %arg2: memref<8192xi32, #tpu.memory_space<hbm>>, %arg3: memref<200x1024xf32, #tpu.memory_space<hbm>>, %arg4: memref<8192x1024xf32, #tpu.memory_space<hbm>>, %arg5: memref<204800xf32, #tpu.memory_space<vmem_shared>>, %arg6: memref<256xi32, #tpu.memory_space<vmem>>, %arg7: memref<!tpu.dma_semaphore, #tpu.memory_space<semaphore_mem>>, %arg8: memref<!tpu.dma_semaphore, #tpu.memory_space<semaphore_mem>>) attributes {dimension_semantics = [#tpu.dimension_semantics<core_parallel>, #tpu.dimension_semantics<subcore_parallel>], iteration_bounds = array<i64: 2, 16>, scalar_prefetch = 0 : i64, scratch_operands = 4 : i64, tpu.core_type = #tpu.core_type<sc_vector_subcore>, window_params = [{transform_indices = #map}, {transform_indices = #map1}, {transform_indices = #map1}]} {
    %mul3A = arith.constant 2 : i32
    %mul3A_0 = arith.muli %arg1, %mul3A : i32
    %add3A = arith.addi %mul3A_0, %arg0 : i32
    %mul3A_1 = arith.constant 256 : i32
    %mul3A_2 = arith.muli %add3A, %mul3A_1 : i32
    %mul3A_3 = arith.constant 12 : i32
    %mul3A_4 = arith.muli %arg1, %mul3A_3 : i32
    %add3A_5 = arith.constant 0 : i32
    %add3A_6 = arith.addi %mul3A_4, %add3A_5 : i32
    %mul3A_7 = arith.constant 12 : i32
    %mul3A_8 = arith.muli %arg1, %mul3A_7 : i32
    %add3A_9 = arith.constant 0 : i32
    %add3A_10 = arith.addi %mul3A_8, %add3A_9 : i32
    %mul3A_11 = arith.constant 1024 : i32
    %mul3A_12 = arith.muli %add3A_10, %mul3A_11 : i32
    %dma_start3A = tpu.memref_slice %arg5[%mul3A_12] : memref<204800xf32, #tpu.memory_space<vmem_shared>> -> memref<1024xf32, #tpu.memory_space<vmem_shared>>
    %dma_start3A_13 = arith.constant 0 : i32
    %dma_start3A_14 = tpu.memref_slice %arg3[%add3A_6, %dma_start3A_13] : memref<200x1024xf32, #tpu.memory_space<hbm>> -> memref<1x1024xf32, #tpu.memory_space<hbm>>
    %dma_start3A_15 = tpu.memref_squeeze %dma_start3A_14 : memref<1x1024xf32, #tpu.memory_space<hbm>> -> memref<1024xf32, #tpu.memory_space<hbm>>
    tpu.enqueue_dma source(%dma_start3A_15 : memref<1024xf32, #tpu.memory_space<hbm>>) target(%dma_start3A : memref<1024xf32, #tpu.memory_space<vmem_shared>>) target_semaphore(%arg7 : memref<!tpu.dma_semaphore, #tpu.memory_space<semaphore_mem>>)
    %mul3A_16 = arith.constant 12 : i32
    %mul3A_17 = arith.muli %arg1, %mul3A_16 : i32
    %add3A_18 = arith.constant 1 : i32
    %add3A_19 = arith.addi %mul3A_17, %add3A_18 : i32
    %mul3A_20 = arith.constant 12 : i32
    %mul3A_21 = arith.muli %arg1, %mul3A_20 : i32
    %add3A_22 = arith.constant 1 : i32
    %add3A_23 = arith.addi %mul3A_21, %add3A_22 : i32
    %mul3A_24 = arith.constant 1024 : i32
    %mul3A_25 = arith.muli %add3A_23, %mul3A_24 : i32
    %dma_start3A_26 = tpu.memref_slice %arg5[%mul3A_25] : memref<204800xf32, #tpu.memory_space<vmem_shared>> -> memref<1024xf32, #tpu.memory_space<vmem_shared>>
    %dma_start3A_27 = arith.constant 0 : i32
    %dma_start3A_28 = tpu.memref_slice %arg3[%add3A_19, %dma_start3A_27] : memref<200x1024xf32, #tpu.memory_space<hbm>> -> memref<1x1024xf32, #tpu.memory_space<hbm>>
    %dma_start3A_29 = tpu.memref_squeeze %dma_start3A_28 : memref<1x1024xf32, #tpu.memory_space<hbm>> -> memref<1024xf32, #tpu.memory_space<hbm>>
    tpu.enqueue_dma source(%dma_start3A_29 : memref<1024xf32, #tpu.memory_space<hbm>>) target(%dma_start3A_26 : memref<1024xf32, #tpu.memory_space<vmem_shared>>) target_semaphore(%arg7 : memref<!tpu.dma_semaphore, #tpu.memory_space<semaphore_mem>>)
    %mul3A_30 = arith.constant 12 : i32
    %mul3A_31 = arith.muli %arg1, %mul3A_30 : i32
    %add3A_32 = arith.constant 2 : i32
    %add3A_33 = arith.addi %mul3A_31, %add3A_32 : i32
    %mul3A_34 = arith.constant 12 : i32
    %mul3A_35 = arith.muli %arg1, %mul3A_34 : i32
    %add3A_36 = arith.constant 2 : i32
    %add3A_37 = arith.addi %mul3A_35, %add3A_36 : i32
    %mul3A_38 = arith.constant 1024 : i32
    %mul3A_39 = arith.muli %add3A_37, %mul3A_38 : i32
    %dma_start3A_40 = tpu.memref_slice %arg5[%mul3A_39] : memref<204800xf32, #tpu.memory_space<vmem_shared>> -> memref<1024xf32, #tpu.memory_space<vmem_shared>>
    %dma_start3A_41 = arith.constant 0 : i32
    %dma_start3A_42 = tpu.memref_slice %arg3[%add3A_33, %dma_start3A_41] : memref<200x1024xf32, #tpu.memory_space<hbm>> -> memref<1x1024xf32, #tpu.memory_space<hbm>>
    %dma_start3A_43 = tpu.memref_squeeze %dma_start3A_42 : memref<1x1024xf32, #tpu.memory_space<hbm>> -> memref<1024xf32, #tpu.memory_space<hbm>>
    tpu.enqueue_dma source(%dma_start3A_43 : memref<1024xf32, #tpu.memory_space<hbm>>) target(%dma_start3A_40 : memref<1024xf32, #tpu.memory_space<vmem_shared>>) target_semaphore(%arg7 : memref<!tpu.dma_semaphore, #tpu.memory_space<semaphore_mem>>)
    %mul3A_44 = arith.constant 12 : i32
    %mul3A_45 = arith.muli %arg1, %mul3A_44 : i32
    %add3A_46 = arith.constant 3 : i32
    %add3A_47 = arith.addi %mul3A_45, %add3A_46 : i32
    %mul3A_48 = arith.constant 12 : i32
    %mul3A_49 = arith.muli %arg1, %mul3A_48 : i32
    %add3A_50 = arith.constant 3 : i32
    %add3A_51 = arith.addi %mul3A_49, %add3A_50 : i32
    %mul3A_52 = arith.constant 1024 : i32
    %mul3A_53 = arith.muli %add3A_51, %mul3A_52 : i32
    %dma_start3A_54 = tpu.memref_slice %arg5[%mul3A_53] : memref<204800xf32, #tpu.memory_space<vmem_shared>> -> memref<1024xf32, #tpu.memory_space<vmem_shared>>
    %dma_start3A_55 = arith.constant 0 : i32
    %dma_start3A_56 = tpu.memref_slice %arg3[%add3A_47, %dma_start3A_55] : memref<200x1024xf32, #tpu.memory_space<hbm>> -> memref<1x1024xf32, #tpu.memory_space<hbm>>
    %dma_start3A_57 = tpu.memref_squeeze %dma_start3A_56 : memref<1x1024xf32, #tpu.memory_space<hbm>> -> memref<1024xf32, #tpu.memory_space<hbm>>
    tpu.enqueue_dma source(%dma_start3A_57 : memref<1024xf32, #tpu.memory_space<hbm>>) target(%dma_start3A_54 : memref<1024xf32, #tpu.memory_space<vmem_shared>>) target_semaphore(%arg7 : memref<!tpu.dma_semaphore, #tpu.memory_space<semaphore_mem>>)
    %mul3A_58 = arith.constant 12 : i32
    %mul3A_59 = arith.muli %arg1, %mul3A_58 : i32
    %add3A_60 = arith.constant 4 : i32
    %add3A_61 = arith.addi %mul3A_59, %add3A_60 : i32
    %mul3A_62 = arith.constant 12 : i32
    %mul3A_63 = arith.muli %arg1, %mul3A_62 : i32
    %add3A_64 = arith.constant 4 : i32
    %add3A_65 = arith.addi %mul3A_63, %add3A_64 : i32
    %mul3A_66 = arith.constant 1024 : i32
    %mul3A_67 = arith.muli %add3A_65, %mul3A_66 : i32
    %dma_start3A_68 = tpu.memref_slice %arg5[%mul3A_67] : memref<204800xf32, #tpu.memory_space<vmem_shared>> -> memref<1024xf32, #tpu.memory_space<vmem_shared>>
    %dma_start3A_69 = arith.constant 0 : i32
    %dma_start3A_70 = tpu.memref_slice %arg3[%add3A_61, %dma_start3A_69] : memref<200x1024xf32, #tpu.memory_space<hbm>> -> memref<1x1024xf32, #tpu.memory_space<hbm>>
    %dma_start3A_71 = tpu.memref_squeeze %dma_start3A_70 : memref<1x1024xf32, #tpu.memory_space<hbm>> -> memref<1024xf32, #tpu.memory_space<hbm>>
    tpu.enqueue_dma source(%dma_start3A_71 : memref<1024xf32, #tpu.memory_space<hbm>>) target(%dma_start3A_68 : memref<1024xf32, #tpu.memory_space<vmem_shared>>) target_semaphore(%arg7 : memref<!tpu.dma_semaphore, #tpu.memory_space<semaphore_mem>>)
    %mul3A_72 = arith.constant 12 : i32
    %mul3A_73 = arith.muli %arg1, %mul3A_72 : i32
    %add3A_74 = arith.constant 5 : i32
    %add3A_75 = arith.addi %mul3A_73, %add3A_74 : i32
    %mul3A_76 = arith.constant 12 : i32
    %mul3A_77 = arith.muli %arg1, %mul3A_76 : i32
    %add3A_78 = arith.constant 5 : i32
    %add3A_79 = arith.addi %mul3A_77, %add3A_78 : i32
    %mul3A_80 = arith.constant 1024 : i32
    %mul3A_81 = arith.muli %add3A_79, %mul3A_80 : i32
    %dma_start3A_82 = tpu.memref_slice %arg5[%mul3A_81] : memref<204800xf32, #tpu.memory_space<vmem_shared>> -> memref<1024xf32, #tpu.memory_space<vmem_shared>>
    %dma_start3A_83 = arith.constant 0 : i32
    %dma_start3A_84 = tpu.memref_slice %arg3[%add3A_75, %dma_start3A_83] : memref<200x1024xf32, #tpu.memory_space<hbm>> -> memref<1x1024xf32, #tpu.memory_space<hbm>>
    %dma_start3A_85 = tpu.memref_squeeze %dma_start3A_84 : memref<1x1024xf32, #tpu.memory_space<hbm>> -> memref<1024xf32, #tpu.memory_space<hbm>>
    tpu.enqueue_dma source(%dma_start3A_85 : memref<1024xf32, #tpu.memory_space<hbm>>) target(%dma_start3A_82 : memref<1024xf32, #tpu.memory_space<vmem_shared>>) target_semaphore(%arg7 : memref<!tpu.dma_semaphore, #tpu.memory_space<semaphore_mem>>)
    %mul3A_86 = arith.constant 12 : i32
    %mul3A_87 = arith.muli %arg1, %mul3A_86 : i32
    %add3A_88 = arith.constant 6 : i32
    %add3A_89 = arith.addi %mul3A_87, %add3A_88 : i32
    %mul3A_90 = arith.constant 12 : i32
    %mul3A_91 = arith.muli %arg1, %mul3A_90 : i32
    %add3A_92 = arith.constant 6 : i32
    %add3A_93 = arith.addi %mul3A_91, %add3A_92 : i32
    %mul3A_94 = arith.constant 1024 : i32
    %mul3A_95 = arith.muli %add3A_93, %mul3A_94 : i32
    %dma_start3A_96 = tpu.memref_slice %arg5[%mul3A_95] : memref<204800xf32, #tpu.memory_space<vmem_shared>> -> memref<1024xf32, #tpu.memory_space<vmem_shared>>
    %dma_start3A_97 = arith.constant 0 : i32
    %dma_start3A_98 = tpu.memref_slice %arg3[%add3A_89, %dma_start3A_97] : memref<200x1024xf32, #tpu.memory_space<hbm>> -> memref<1x1024xf32, #tpu.memory_space<hbm>>
    %dma_start3A_99 = tpu.memref_squeeze %dma_start3A_98 : memref<1x1024xf32, #tpu.memory_space<hbm>> -> memref<1024xf32, #tpu.memory_space<hbm>>
    tpu.enqueue_dma source(%dma_start3A_99 : memref<1024xf32, #tpu.memory_space<hbm>>) target(%dma_start3A_96 : memref<1024xf32, #tpu.memory_space<vmem_shared>>) target_semaphore(%arg7 : memref<!tpu.dma_semaphore, #tpu.memory_space<semaphore_mem>>)
    %mul3A_100 = arith.constant 12 : i32
    %mul3A_101 = arith.muli %arg1, %mul3A_100 : i32
    %add3A_102 = arith.constant 7 : i32
    %add3A_103 = arith.addi %mul3A_101, %add3A_102 : i32
    %mul3A_104 = arith.constant 12 : i32
    %mul3A_105 = arith.muli %arg1, %mul3A_104 : i32
    %add3A_106 = arith.constant 7 : i32
    %add3A_107 = arith.addi %mul3A_105, %add3A_106 : i32
    %mul3A_108 = arith.constant 1024 : i32
    %mul3A_109 = arith.muli %add3A_107, %mul3A_108 : i32
    %dma_start3A_110 = tpu.memref_slice %arg5[%mul3A_109] : memref<204800xf32, #tpu.memory_space<vmem_shared>> -> memref<1024xf32, #tpu.memory_space<vmem_shared>>
    %dma_start3A_111 = arith.constant 0 : i32
    %dma_start3A_112 = tpu.memref_slice %arg3[%add3A_103, %dma_start3A_111] : memref<200x1024xf32, #tpu.memory_space<hbm>> -> memref<1x1024xf32, #tpu.memory_space<hbm>>
    %dma_start3A_113 = tpu.memref_squeeze %dma_start3A_112 : memref<1x1024xf32, #tpu.memory_space<hbm>> -> memref<1024xf32, #tpu.memory_space<hbm>>
    tpu.enqueue_dma source(%dma_start3A_113 : memref<1024xf32, #tpu.memory_space<hbm>>) target(%dma_start3A_110 : memref<1024xf32, #tpu.memory_space<vmem_shared>>) target_semaphore(%arg7 : memref<!tpu.dma_semaphore, #tpu.memory_space<semaphore_mem>>)
    %mul3A_114 = arith.constant 12 : i32
    %mul3A_115 = arith.muli %arg1, %mul3A_114 : i32
    %add3A_116 = arith.constant 8 : i32
    %add3A_117 = arith.addi %mul3A_115, %add3A_116 : i32
    %mul3A_118 = arith.constant 12 : i32
    %mul3A_119 = arith.muli %arg1, %mul3A_118 : i32
    %add3A_120 = arith.constant 8 : i32
    %add3A_121 = arith.addi %mul3A_119, %add3A_120 : i32
    %mul3A_122 = arith.constant 1024 : i32
    %mul3A_123 = arith.muli %add3A_121, %mul3A_122 : i32
    %dma_start3A_124 = tpu.memref_slice %arg5[%mul3A_123] : memref<204800xf32, #tpu.memory_space<vmem_shared>> -> memref<1024xf32, #tpu.memory_space<vmem_shared>>
    %dma_start3A_125 = arith.constant 0 : i32
    %dma_start3A_126 = tpu.memref_slice %arg3[%add3A_117, %dma_start3A_125] : memref<200x1024xf32, #tpu.memory_space<hbm>> -> memref<1x1024xf32, #tpu.memory_space<hbm>>
    %dma_start3A_127 = tpu.memref_squeeze %dma_start3A_126 : memref<1x1024xf32, #tpu.memory_space<hbm>> -> memref<1024xf32, #tpu.memory_space<hbm>>
    tpu.enqueue_dma source(%dma_start3A_127 : memref<1024xf32, #tpu.memory_space<hbm>>) target(%dma_start3A_124 : memref<1024xf32, #tpu.memory_space<vmem_shared>>) target_semaphore(%arg7 : memref<!tpu.dma_semaphore, #tpu.memory_space<semaphore_mem>>)
    %mul3A_128 = arith.constant 12 : i32
    %mul3A_129 = arith.muli %arg1, %mul3A_128 : i32
    %add3A_130 = arith.constant 9 : i32
    %add3A_131 = arith.addi %mul3A_129, %add3A_130 : i32
    %mul3A_132 = arith.constant 12 : i32
    %mul3A_133 = arith.muli %arg1, %mul3A_132 : i32
    %add3A_134 = arith.constant 9 : i32
    %add3A_135 = arith.addi %mul3A_133, %add3A_134 : i32
    %mul3A_136 = arith.constant 1024 : i32
    %mul3A_137 = arith.muli %add3A_135, %mul3A_136 : i32
    %dma_start3A_138 = tpu.memref_slice %arg5[%mul3A_137] : memref<204800xf32, #tpu.memory_space<vmem_shared>> -> memref<1024xf32, #tpu.memory_space<vmem_shared>>
    %dma_start3A_139 = arith.constant 0 : i32
    %dma_start3A_140 = tpu.memref_slice %arg3[%add3A_131, %dma_start3A_139] : memref<200x1024xf32, #tpu.memory_space<hbm>> -> memref<1x1024xf32, #tpu.memory_space<hbm>>
    %dma_start3A_141 = tpu.memref_squeeze %dma_start3A_140 : memref<1x1024xf32, #tpu.memory_space<hbm>> -> memref<1024xf32, #tpu.memory_space<hbm>>
    tpu.enqueue_dma source(%dma_start3A_141 : memref<1024xf32, #tpu.memory_space<hbm>>) target(%dma_start3A_138 : memref<1024xf32, #tpu.memory_space<vmem_shared>>) target_semaphore(%arg7 : memref<!tpu.dma_semaphore, #tpu.memory_space<semaphore_mem>>)
    %mul3A_142 = arith.constant 12 : i32
    %mul3A_143 = arith.muli %arg1, %mul3A_142 : i32
    %add3A_144 = arith.constant 10 : i32
    %add3A_145 = arith.addi %mul3A_143, %add3A_144 : i32
    %mul3A_146 = arith.constant 12 : i32
    %mul3A_147 = arith.muli %arg1, %mul3A_146 : i32
    %add3A_148 = arith.constant 10 : i32
    %add3A_149 = arith.addi %mul3A_147, %add3A_148 : i32
    %mul3A_150 = arith.constant 1024 : i32
    %mul3A_151 = arith.muli %add3A_149, %mul3A_150 : i32
    %dma_start3A_152 = tpu.memref_slice %arg5[%mul3A_151] : memref<204800xf32, #tpu.memory_space<vmem_shared>> -> memref<1024xf32, #tpu.memory_space<vmem_shared>>
    %dma_start3A_153 = arith.constant 0 : i32
    %dma_start3A_154 = tpu.memref_slice %arg3[%add3A_145, %dma_start3A_153] : memref<200x1024xf32, #tpu.memory_space<hbm>> -> memref<1x1024xf32, #tpu.memory_space<hbm>>
    %dma_start3A_155 = tpu.memref_squeeze %dma_start3A_154 : memref<1x1024xf32, #tpu.memory_space<hbm>> -> memref<1024xf32, #tpu.memory_space<hbm>>
    tpu.enqueue_dma source(%dma_start3A_155 : memref<1024xf32, #tpu.memory_space<hbm>>) target(%dma_start3A_152 : memref<1024xf32, #tpu.memory_space<vmem_shared>>) target_semaphore(%arg7 : memref<!tpu.dma_semaphore, #tpu.memory_space<semaphore_mem>>)
    %mul3A_156 = arith.constant 12 : i32
    %mul3A_157 = arith.muli %arg1, %mul3A_156 : i32
    %add3A_158 = arith.constant 11 : i32
    %add3A_159 = arith.addi %mul3A_157, %add3A_158 : i32
    %mul3A_160 = arith.constant 12 : i32
    %mul3A_161 = arith.muli %arg1, %mul3A_160 : i32
    %add3A_162 = arith.constant 11 : i32
    %add3A_163 = arith.addi %mul3A_161, %add3A_162 : i32
    %mul3A_164 = arith.constant 1024 : i32
    %mul3A_165 = arith.muli %add3A_163, %mul3A_164 : i32
    %dma_start3A_166 = tpu.memref_slice %arg5[%mul3A_165] : memref<204800xf32, #tpu.memory_space<vmem_shared>> -> memref<1024xf32, #tpu.memory_space<vmem_shared>>
    %dma_start3A_167 = arith.constant 0 : i32
    %dma_start3A_168 = tpu.memref_slice %arg3[%add3A_159, %dma_start3A_167] : memref<200x1024xf32, #tpu.memory_space<hbm>> -> memref<1x1024xf32, #tpu.memory_space<hbm>>
    %dma_start3A_169 = tpu.memref_squeeze %dma_start3A_168 : memref<1x1024xf32, #tpu.memory_space<hbm>> -> memref<1024xf32, #tpu.memory_space<hbm>>
    tpu.enqueue_dma source(%dma_start3A_169 : memref<1024xf32, #tpu.memory_space<hbm>>) target(%dma_start3A_166 : memref<1024xf32, #tpu.memory_space<vmem_shared>>) target_semaphore(%arg7 : memref<!tpu.dma_semaphore, #tpu.memory_space<semaphore_mem>>)
    %eq3A = arith.constant 0 : i32
    %eq3A_170 = arith.cmpi eq, %arg1, %eq3A : i32
    %convert_element_type3A = arith.extui %eq3A_170 : i1 to i32
    %cond3A = arith.constant 0 : i32
    %cond3A_171 = arith.cmpi ne, %convert_element_type3A, %cond3A : i32
    scf.if %cond3A_171 {
      %dma_start3A_230 = arith.constant 192 : i32
      %dma_start3A_231 = arith.constant 196608 : i32
      %dma_start3A_232 = tpu.memref_slice %arg5[%dma_start3A_231] : memref<204800xf32, #tpu.memory_space<vmem_shared>> -> memref<1024xf32, #tpu.memory_space<vmem_shared>>
      %dma_start3A_233 = arith.constant 0 : i32
      %dma_start3A_234 = tpu.memref_slice %arg3[%dma_start3A_230, %dma_start3A_233] : memref<200x1024xf32, #tpu.memory_space<hbm>> -> memref<1x1024xf32, #tpu.memory_space<hbm>>
      %dma_start3A_235 = tpu.memref_squeeze %dma_start3A_234 : memref<1x1024xf32, #tpu.memory_space<hbm>> -> memref<1024xf32, #tpu.memory_space<hbm>>
      tpu.enqueue_dma source(%dma_start3A_235 : memref<1024xf32, #tpu.memory_space<hbm>>) target(%dma_start3A_232 : memref<1024xf32, #tpu.memory_space<vmem_shared>>) target_semaphore(%arg7 : memref<!tpu.dma_semaphore, #tpu.memory_space<semaphore_mem>>)
      %dma_start3A_236 = arith.constant 193 : i32
      %dma_start3A_237 = arith.constant 197632 : i32
      %dma_start3A_238 = tpu.memref_slice %arg5[%dma_start3A_237] : memref<204800xf32, #tpu.memory_space<vmem_shared>> -> memref<1024xf32, #tpu.memory_space<vmem_shared>>
      %dma_start3A_239 = arith.constant 0 : i32
      %dma_start3A_240 = tpu.memref_slice %arg3[%dma_start3A_236, %dma_start3A_239] : memref<200x1024xf32, #tpu.memory_space<hbm>> -> memref<1x1024xf32, #tpu.memory_space<hbm>>
      %dma_start3A_241 = tpu.memref_squeeze %dma_start3A_240 : memref<1x1024xf32, #tpu.memory_space<hbm>> -> memref<1024xf32, #tpu.memory_space<hbm>>
      tpu.enqueue_dma source(%dma_start3A_241 : memref<1024xf32, #tpu.memory_space<hbm>>) target(%dma_start3A_238 : memref<1024xf32, #tpu.memory_space<vmem_shared>>) target_semaphore(%arg7 : memref<!tpu.dma_semaphore, #tpu.memory_space<semaphore_mem>>)
      %dma_start3A_242 = arith.constant 194 : i32
      %dma_start3A_243 = arith.constant 198656 : i32
      %dma_start3A_244 = tpu.memref_slice %arg5[%dma_start3A_243] : memref<204800xf32, #tpu.memory_space<vmem_shared>> -> memref<1024xf32, #tpu.memory_space<vmem_shared>>
      %dma_start3A_245 = arith.constant 0 : i32
      %dma_start3A_246 = tpu.memref_slice %arg3[%dma_start3A_242, %dma_start3A_245] : memref<200x1024xf32, #tpu.memory_space<hbm>> -> memref<1x1024xf32, #tpu.memory_space<hbm>>
      %dma_start3A_247 = tpu.memref_squeeze %dma_start3A_246 : memref<1x1024xf32, #tpu.memory_space<hbm>> -> memref<1024xf32, #tpu.memory_space<hbm>>
      tpu.enqueue_dma source(%dma_start3A_247 : memref<1024xf32, #tpu.memory_space<hbm>>) target(%dma_start3A_244 : memref<1024xf32, #tpu.memory_space<vmem_shared>>) target_semaphore(%arg7 : memref<!tpu.dma_semaphore, #tpu.memory_space<semaphore_mem>>)
      %dma_start3A_248 = arith.constant 195 : i32
      %dma_start3A_249 = arith.constant 199680 : i32
      %dma_start3A_250 = tpu.memref_slice %arg5[%dma_start3A_249] : memref<204800xf32, #tpu.memory_space<vmem_shared>> -> memref<1024xf32, #tpu.memory_space<vmem_shared>>
      %dma_start3A_251 = arith.constant 0 : i32
      %dma_start3A_252 = tpu.memref_slice %arg3[%dma_start3A_248, %dma_start3A_251] : memref<200x1024xf32, #tpu.memory_space<hbm>> -> memref<1x1024xf32, #tpu.memory_space<hbm>>
      %dma_start3A_253 = tpu.memref_squeeze %dma_start3A_252 : memref<1x1024xf32, #tpu.memory_space<hbm>> -> memref<1024xf32, #tpu.memory_space<hbm>>
      tpu.enqueue_dma source(%dma_start3A_253 : memref<1024xf32, #tpu.memory_space<hbm>>) target(%dma_start3A_250 : memref<1024xf32, #tpu.memory_space<vmem_shared>>) target_semaphore(%arg7 : memref<!tpu.dma_semaphore, #tpu.memory_space<semaphore_mem>>)
      %dma_start3A_254 = arith.constant 196 : i32
      %dma_start3A_255 = arith.constant 200704 : i32
      %dma_start3A_256 = tpu.memref_slice %arg5[%dma_start3A_255] : memref<204800xf32, #tpu.memory_space<vmem_shared>> -> memref<1024xf32, #tpu.memory_space<vmem_shared>>
      %dma_start3A_257 = arith.constant 0 : i32
      %dma_start3A_258 = tpu.memref_slice %arg3[%dma_start3A_254, %dma_start3A_257] : memref<200x1024xf32, #tpu.memory_space<hbm>> -> memref<1x1024xf32, #tpu.memory_space<hbm>>
      %dma_start3A_259 = tpu.memref_squeeze %dma_start3A_258 : memref<1x1024xf32, #tpu.memory_space<hbm>> -> memref<1024xf32, #tpu.memory_space<hbm>>
      tpu.enqueue_dma source(%dma_start3A_259 : memref<1024xf32, #tpu.memory_space<hbm>>) target(%dma_start3A_256 : memref<1024xf32, #tpu.memory_space<vmem_shared>>) target_semaphore(%arg7 : memref<!tpu.dma_semaphore, #tpu.memory_space<semaphore_mem>>)
      %dma_start3A_260 = arith.constant 197 : i32
      %dma_start3A_261 = arith.constant 201728 : i32
      %dma_start3A_262 = tpu.memref_slice %arg5[%dma_start3A_261] : memref<204800xf32, #tpu.memory_space<vmem_shared>> -> memref<1024xf32, #tpu.memory_space<vmem_shared>>
      %dma_start3A_263 = arith.constant 0 : i32
      %dma_start3A_264 = tpu.memref_slice %arg3[%dma_start3A_260, %dma_start3A_263] : memref<200x1024xf32, #tpu.memory_space<hbm>> -> memref<1x1024xf32, #tpu.memory_space<hbm>>
      %dma_start3A_265 = tpu.memref_squeeze %dma_start3A_264 : memref<1x1024xf32, #tpu.memory_space<hbm>> -> memref<1024xf32, #tpu.memory_space<hbm>>
      tpu.enqueue_dma source(%dma_start3A_265 : memref<1024xf32, #tpu.memory_space<hbm>>) target(%dma_start3A_262 : memref<1024xf32, #tpu.memory_space<vmem_shared>>) target_semaphore(%arg7 : memref<!tpu.dma_semaphore, #tpu.memory_space<semaphore_mem>>)
      %dma_start3A_266 = arith.constant 198 : i32
      %dma_start3A_267 = arith.constant 202752 : i32
      %dma_start3A_268 = tpu.memref_slice %arg5[%dma_start3A_267] : memref<204800xf32, #tpu.memory_space<vmem_shared>> -> memref<1024xf32, #tpu.memory_space<vmem_shared>>
      %dma_start3A_269 = arith.constant 0 : i32
      %dma_start3A_270 = tpu.memref_slice %arg3[%dma_start3A_266, %dma_start3A_269] : memref<200x1024xf32, #tpu.memory_space<hbm>> -> memref<1x1024xf32, #tpu.memory_space<hbm>>
      %dma_start3A_271 = tpu.memref_squeeze %dma_start3A_270 : memref<1x1024xf32, #tpu.memory_space<hbm>> -> memref<1024xf32, #tpu.memory_space<hbm>>
      tpu.enqueue_dma source(%dma_start3A_271 : memref<1024xf32, #tpu.memory_space<hbm>>) target(%dma_start3A_268 : memref<1024xf32, #tpu.memory_space<vmem_shared>>) target_semaphore(%arg7 : memref<!tpu.dma_semaphore, #tpu.memory_space<semaphore_mem>>)
      %dma_start3A_272 = arith.constant 199 : i32
      %dma_start3A_273 = arith.constant 203776 : i32
      %dma_start3A_274 = tpu.memref_slice %arg5[%dma_start3A_273] : memref<204800xf32, #tpu.memory_space<vmem_shared>> -> memref<1024xf32, #tpu.memory_space<vmem_shared>>
      %dma_start3A_275 = arith.constant 0 : i32
      %dma_start3A_276 = tpu.memref_slice %arg3[%dma_start3A_272, %dma_start3A_275] : memref<200x1024xf32, #tpu.memory_space<hbm>> -> memref<1x1024xf32, #tpu.memory_space<hbm>>
      %dma_start3A_277 = tpu.memref_squeeze %dma_start3A_276 : memref<1x1024xf32, #tpu.memory_space<hbm>> -> memref<1024xf32, #tpu.memory_space<hbm>>
      tpu.enqueue_dma source(%dma_start3A_277 : memref<1024xf32, #tpu.memory_space<hbm>>) target(%dma_start3A_274 : memref<1024xf32, #tpu.memory_space<vmem_shared>>) target_semaphore(%arg7 : memref<!tpu.dma_semaphore, #tpu.memory_space<semaphore_mem>>)
      %dma_wait3A_278 = arith.constant 192 : i32
      %dma_wait3A_279 = arith.constant 196608 : i32
      %dma_wait3A_280 = tpu.memref_slice %arg5[%dma_wait3A_279] : memref<204800xf32, #tpu.memory_space<vmem_shared>> -> memref<1024xf32, #tpu.memory_space<vmem_shared>>
      %dma_wait3A_281 = arith.constant 0 : i32
      %dma_wait3A_282 = tpu.memref_slice %arg3[%dma_wait3A_278, %dma_wait3A_281] : memref<200x1024xf32, #tpu.memory_space<hbm>> -> memref<1x1024xf32, #tpu.memory_space<hbm>>
      %dma_wait3A_283 = tpu.memref_squeeze %dma_wait3A_282 : memref<1x1024xf32, #tpu.memory_space<hbm>> -> memref<1024xf32, #tpu.memory_space<hbm>>
      tpu.wait_dma2 semaphore(%arg7 : memref<!tpu.dma_semaphore, #tpu.memory_space<semaphore_mem>>) src(%dma_wait3A_283 : memref<1024xf32, #tpu.memory_space<hbm>>) dst(%dma_wait3A_280 : memref<1024xf32, #tpu.memory_space<vmem_shared>>)
      %dma_wait3A_284 = arith.constant 193 : i32
      %dma_wait3A_285 = arith.constant 197632 : i32
      %dma_wait3A_286 = tpu.memref_slice %arg5[%dma_wait3A_285] : memref<204800xf32, #tpu.memory_space<vmem_shared>> -> memref<1024xf32, #tpu.memory_space<vmem_shared>>
      %dma_wait3A_287 = arith.constant 0 : i32
      %dma_wait3A_288 = tpu.memref_slice %arg3[%dma_wait3A_284, %dma_wait3A_287] : memref<200x1024xf32, #tpu.memory_space<hbm>> -> memref<1x1024xf32, #tpu.memory_space<hbm>>
      %dma_wait3A_289 = tpu.memref_squeeze %dma_wait3A_288 : memref<1x1024xf32, #tpu.memory_space<hbm>> -> memref<1024xf32, #tpu.memory_space<hbm>>
      tpu.wait_dma2 semaphore(%arg7 : memref<!tpu.dma_semaphore, #tpu.memory_space<semaphore_mem>>) src(%dma_wait3A_289 : memref<1024xf32, #tpu.memory_space<hbm>>) dst(%dma_wait3A_286 : memref<1024xf32, #tpu.memory_space<vmem_shared>>)
      %dma_wait3A_290 = arith.constant 194 : i32
      %dma_wait3A_291 = arith.constant 198656 : i32
      %dma_wait3A_292 = tpu.memref_slice %arg5[%dma_wait3A_291] : memref<204800xf32, #tpu.memory_space<vmem_shared>> -> memref<1024xf32, #tpu.memory_space<vmem_shared>>
      %dma_wait3A_293 = arith.constant 0 : i32
      %dma_wait3A_294 = tpu.memref_slice %arg3[%dma_wait3A_290, %dma_wait3A_293] : memref<200x1024xf32, #tpu.memory_space<hbm>> -> memref<1x1024xf32, #tpu.memory_space<hbm>>
      %dma_wait3A_295 = tpu.memref_squeeze %dma_wait3A_294 : memref<1x1024xf32, #tpu.memory_space<hbm>> -> memref<1024xf32, #tpu.memory_space<hbm>>
      tpu.wait_dma2 semaphore(%arg7 : memref<!tpu.dma_semaphore, #tpu.memory_space<semaphore_mem>>) src(%dma_wait3A_295 : memref<1024xf32, #tpu.memory_space<hbm>>) dst(%dma_wait3A_292 : memref<1024xf32, #tpu.memory_space<vmem_shared>>)
      %dma_wait3A_296 = arith.constant 195 : i32
      %dma_wait3A_297 = arith.constant 199680 : i32
      %dma_wait3A_298 = tpu.memref_slice %arg5[%dma_wait3A_297] : memref<204800xf32, #tpu.memory_space<vmem_shared>> -> memref<1024xf32, #tpu.memory_space<vmem_shared>>
      %dma_wait3A_299 = arith.constant 0 : i32
      %dma_wait3A_300 = tpu.memref_slice %arg3[%dma_wait3A_296, %dma_wait3A_299] : memref<200x1024xf32, #tpu.memory_space<hbm>> -> memref<1x1024xf32, #tpu.memory_space<hbm>>
      %dma_wait3A_301 = tpu.memref_squeeze %dma_wait3A_300 : memref<1x1024xf32, #tpu.memory_space<hbm>> -> memref<1024xf32, #tpu.memory_space<hbm>>
      tpu.wait_dma2 semaphore(%arg7 : memref<!tpu.dma_semaphore, #tpu.memory_space<semaphore_mem>>) src(%dma_wait3A_301 : memref<1024xf32, #tpu.memory_space<hbm>>) dst(%dma_wait3A_298 : memref<1024xf32, #tpu.memory_space<vmem_shared>>)
      %dma_wait3A_302 = arith.constant 196 : i32
      %dma_wait3A_303 = arith.constant 200704 : i32
      %dma_wait3A_304 = tpu.memref_slice %arg5[%dma_wait3A_303] : memref<204800xf32, #tpu.memory_space<vmem_shared>> -> memref<1024xf32, #tpu.memory_space<vmem_shared>>
      %dma_wait3A_305 = arith.constant 0 : i32
      %dma_wait3A_306 = tpu.memref_slice %arg3[%dma_wait3A_302, %dma_wait3A_305] : memref<200x1024xf32, #tpu.memory_space<hbm>> -> memref<1x1024xf32, #tpu.memory_space<hbm>>
      %dma_wait3A_307 = tpu.memref_squeeze %dma_wait3A_306 : memref<1x1024xf32, #tpu.memory_space<hbm>> -> memref<1024xf32, #tpu.memory_space<hbm>>
      tpu.wait_dma2 semaphore(%arg7 : memref<!tpu.dma_semaphore, #tpu.memory_space<semaphore_mem>>) src(%dma_wait3A_307 : memref<1024xf32, #tpu.memory_space<hbm>>) dst(%dma_wait3A_304 : memref<1024xf32, #tpu.memory_space<vmem_shared>>)
      %dma_wait3A_308 = arith.constant 197 : i32
      %dma_wait3A_309 = arith.constant 201728 : i32
      %dma_wait3A_310 = tpu.memref_slice %arg5[%dma_wait3A_309] : memref<204800xf32, #tpu.memory_space<vmem_shared>> -> memref<1024xf32, #tpu.memory_space<vmem_shared>>
      %dma_wait3A_311 = arith.constant 0 : i32
      %dma_wait3A_312 = tpu.memref_slice %arg3[%dma_wait3A_308, %dma_wait3A_311] : memref<200x1024xf32, #tpu.memory_space<hbm>> -> memref<1x1024xf32, #tpu.memory_space<hbm>>
      %dma_wait3A_313 = tpu.memref_squeeze %dma_wait3A_312 : memref<1x1024xf32, #tpu.memory_space<hbm>> -> memref<1024xf32, #tpu.memory_space<hbm>>
      tpu.wait_dma2 semaphore(%arg7 : memref<!tpu.dma_semaphore, #tpu.memory_space<semaphore_mem>>) src(%dma_wait3A_313 : memref<1024xf32, #tpu.memory_space<hbm>>) dst(%dma_wait3A_310 : memref<1024xf32, #tpu.memory_space<vmem_shared>>)
      %dma_wait3A_314 = arith.constant 198 : i32
      %dma_wait3A_315 = arith.constant 202752 : i32
      %dma_wait3A_316 = tpu.memref_slice %arg5[%dma_wait3A_315] : memref<204800xf32, #tpu.memory_space<vmem_shared>> -> memref<1024xf32, #tpu.memory_space<vmem_shared>>
      %dma_wait3A_317 = arith.constant 0 : i32
      %dma_wait3A_318 = tpu.memref_slice %arg3[%dma_wait3A_314, %dma_wait3A_317] : memref<200x1024xf32, #tpu.memory_space<hbm>> -> memref<1x1024xf32, #tpu.memory_space<hbm>>
      %dma_wait3A_319 = tpu.memref_squeeze %dma_wait3A_318 : memref<1x1024xf32, #tpu.memory_space<hbm>> -> memref<1024xf32, #tpu.memory_space<hbm>>
      tpu.wait_dma2 semaphore(%arg7 : memref<!tpu.dma_semaphore, #tpu.memory_space<semaphore_mem>>) src(%dma_wait3A_319 : memref<1024xf32, #tpu.memory_space<hbm>>) dst(%dma_wait3A_316 : memref<1024xf32, #tpu.memory_space<vmem_shared>>)
      %dma_wait3A_320 = arith.constant 199 : i32
      %dma_wait3A_321 = arith.constant 203776 : i32
      %dma_wait3A_322 = tpu.memref_slice %arg5[%dma_wait3A_321] : memref<204800xf32, #tpu.memory_space<vmem_shared>> -> memref<1024xf32, #tpu.memory_space<vmem_shared>>
      %dma_wait3A_323 = arith.constant 0 : i32
      %dma_wait3A_324 = tpu.memref_slice %arg3[%dma_wait3A_320, %dma_wait3A_323] : memref<200x1024xf32, #tpu.memory_space<hbm>> -> memref<1x1024xf32, #tpu.memory_space<hbm>>
      %dma_wait3A_325 = tpu.memref_squeeze %dma_wait3A_324 : memref<1x1024xf32, #tpu.memory_space<hbm>> -> memref<1024xf32, #tpu.memory_space<hbm>>
      tpu.wait_dma2 semaphore(%arg7 : memref<!tpu.dma_semaphore, #tpu.memory_space<semaphore_mem>>) src(%dma_wait3A_325 : memref<1024xf32, #tpu.memory_space<hbm>>) dst(%dma_wait3A_322 : memref<1024xf32, #tpu.memory_space<vmem_shared>>)
    } else {
    }
    "tpu.region"() ({
      %run_scoped3A = tpu.sem_alloc : memref<!tpu.dma_semaphore, #tpu.memory_space<semaphore_mem>>
      %dma_start3A_230 = tpu.memref_slice %arg2[%mul3A_2] : memref<8192xi32, #tpu.memory_space<hbm>> -> memref<256xi32, #tpu.memory_space<hbm>>
      %dma_start3A_231 = tpu.memref_slice %arg2[%mul3A_2] : memref<8192xi32, #tpu.memory_space<hbm>> -> memref<256xi32, #tpu.memory_space<hbm>>
      tpu.enqueue_dma source(%dma_start3A_231 : memref<256xi32, #tpu.memory_space<hbm>>) target(%arg6 : memref<256xi32, #tpu.memory_space<vmem>>) target_semaphore(%run_scoped3A : memref<!tpu.dma_semaphore, #tpu.memory_space<semaphore_mem>>)
      %dma_wait3A_232 = tpu.memref_slice %arg2[%mul3A_2] : memref<8192xi32, #tpu.memory_space<hbm>> -> memref<256xi32, #tpu.memory_space<hbm>>
      %dma_wait3A_233 = tpu.memref_slice %arg2[%mul3A_2] : memref<8192xi32, #tpu.memory_space<hbm>> -> memref<256xi32, #tpu.memory_space<hbm>>
      tpu.wait_dma2 semaphore(%run_scoped3A : memref<!tpu.dma_semaphore, #tpu.memory_space<semaphore_mem>>) src(%dma_wait3A_233 : memref<256xi32, #tpu.memory_space<hbm>>) dst(%arg6 : memref<256xi32, #tpu.memory_space<vmem>>)
      tpu.yield
    }) : () -> ()
    %dma_wait3A = tpu.memref_slice %arg5[%mul3A_12] : memref<204800xf32, #tpu.memory_space<vmem_shared>> -> memref<1024xf32, #tpu.memory_space<vmem_shared>>
    %dma_wait3A_172 = arith.constant 0 : i32
    %dma_wait3A_173 = tpu.memref_slice %arg3[%add3A_6, %dma_wait3A_172] : memref<200x1024xf32, #tpu.memory_space<hbm>> -> memref<1x1024xf32, #tpu.memory_space<hbm>>
    %dma_wait3A_174 = tpu.memref_squeeze %dma_wait3A_173 : memref<1x1024xf32, #tpu.memory_space<hbm>> -> memref<1024xf32, #tpu.memory_space<hbm>>
    tpu.wait_dma2 semaphore(%arg7 : memref<!tpu.dma_semaphore, #tpu.memory_space<semaphore_mem>>) src(%dma_wait3A_174 : memref<1024xf32, #tpu.memory_space<hbm>>) dst(%dma_wait3A : memref<1024xf32, #tpu.memory_space<vmem_shared>>)
    %dma_wait3A_175 = tpu.memref_slice %arg5[%mul3A_25] : memref<204800xf32, #tpu.memory_space<vmem_shared>> -> memref<1024xf32, #tpu.memory_space<vmem_shared>>
    %dma_wait3A_176 = arith.constant 0 : i32
    %dma_wait3A_177 = tpu.memref_slice %arg3[%add3A_19, %dma_wait3A_176] : memref<200x1024xf32, #tpu.memory_space<hbm>> -> memref<1x1024xf32, #tpu.memory_space<hbm>>
    %dma_wait3A_178 = tpu.memref_squeeze %dma_wait3A_177 : memref<1x1024xf32, #tpu.memory_space<hbm>> -> memref<1024xf32, #tpu.memory_space<hbm>>
    tpu.wait_dma2 semaphore(%arg7 : memref<!tpu.dma_semaphore, #tpu.memory_space<semaphore_mem>>) src(%dma_wait3A_178 : memref<1024xf32, #tpu.memory_space<hbm>>) dst(%dma_wait3A_175 : memref<1024xf32, #tpu.memory_space<vmem_shared>>)
    %dma_wait3A_179 = tpu.memref_slice %arg5[%mul3A_39] : memref<204800xf32, #tpu.memory_space<vmem_shared>> -> memref<1024xf32, #tpu.memory_space<vmem_shared>>
    %dma_wait3A_180 = arith.constant 0 : i32
    %dma_wait3A_181 = tpu.memref_slice %arg3[%add3A_33, %dma_wait3A_180] : memref<200x1024xf32, #tpu.memory_space<hbm>> -> memref<1x1024xf32, #tpu.memory_space<hbm>>
    %dma_wait3A_182 = tpu.memref_squeeze %dma_wait3A_181 : memref<1x1024xf32, #tpu.memory_space<hbm>> -> memref<1024xf32, #tpu.memory_space<hbm>>
    tpu.wait_dma2 semaphore(%arg7 : memref<!tpu.dma_semaphore, #tpu.memory_space<semaphore_mem>>) src(%dma_wait3A_182 : memref<1024xf32, #tpu.memory_space<hbm>>) dst(%dma_wait3A_179 : memref<1024xf32, #tpu.memory_space<vmem_shared>>)
    %dma_wait3A_183 = tpu.memref_slice %arg5[%mul3A_53] : memref<204800xf32, #tpu.memory_space<vmem_shared>> -> memref<1024xf32, #tpu.memory_space<vmem_shared>>
    %dma_wait3A_184 = arith.constant 0 : i32
    %dma_wait3A_185 = tpu.memref_slice %arg3[%add3A_47, %dma_wait3A_184] : memref<200x1024xf32, #tpu.memory_space<hbm>> -> memref<1x1024xf32, #tpu.memory_space<hbm>>
    %dma_wait3A_186 = tpu.memref_squeeze %dma_wait3A_185 : memref<1x1024xf32, #tpu.memory_space<hbm>> -> memref<1024xf32, #tpu.memory_space<hbm>>
    tpu.wait_dma2 semaphore(%arg7 : memref<!tpu.dma_semaphore, #tpu.memory_space<semaphore_mem>>) src(%dma_wait3A_186 : memref<1024xf32, #tpu.memory_space<hbm>>) dst(%dma_wait3A_183 : memref<1024xf32, #tpu.memory_space<vmem_shared>>)
    %dma_wait3A_187 = tpu.memref_slice %arg5[%mul3A_67] : memref<204800xf32, #tpu.memory_space<vmem_shared>> -> memref<1024xf32, #tpu.memory_space<vmem_shared>>
    %dma_wait3A_188 = arith.constant 0 : i32
    %dma_wait3A_189 = tpu.memref_slice %arg3[%add3A_61, %dma_wait3A_188] : memref<200x1024xf32, #tpu.memory_space<hbm>> -> memref<1x1024xf32, #tpu.memory_space<hbm>>
    %dma_wait3A_190 = tpu.memref_squeeze %dma_wait3A_189 : memref<1x1024xf32, #tpu.memory_space<hbm>> -> memref<1024xf32, #tpu.memory_space<hbm>>
    tpu.wait_dma2 semaphore(%arg7 : memref<!tpu.dma_semaphore, #tpu.memory_space<semaphore_mem>>) src(%dma_wait3A_190 : memref<1024xf32, #tpu.memory_space<hbm>>) dst(%dma_wait3A_187 : memref<1024xf32, #tpu.memory_space<vmem_shared>>)
    %dma_wait3A_191 = tpu.memref_slice %arg5[%mul3A_81] : memref<204800xf32, #tpu.memory_space<vmem_shared>> -> memref<1024xf32, #tpu.memory_space<vmem_shared>>
    %dma_wait3A_192 = arith.constant 0 : i32
    %dma_wait3A_193 = tpu.memref_slice %arg3[%add3A_75, %dma_wait3A_192] : memref<200x1024xf32, #tpu.memory_space<hbm>> -> memref<1x1024xf32, #tpu.memory_space<hbm>>
    %dma_wait3A_194 = tpu.memref_squeeze %dma_wait3A_193 : memref<1x1024xf32, #tpu.memory_space<hbm>> -> memref<1024xf32, #tpu.memory_space<hbm>>
    tpu.wait_dma2 semaphore(%arg7 : memref<!tpu.dma_semaphore, #tpu.memory_space<semaphore_mem>>) src(%dma_wait3A_194 : memref<1024xf32, #tpu.memory_space<hbm>>) dst(%dma_wait3A_191 : memref<1024xf32, #tpu.memory_space<vmem_shared>>)
    %dma_wait3A_195 = tpu.memref_slice %arg5[%mul3A_95] : memref<204800xf32, #tpu.memory_space<vmem_shared>> -> memref<1024xf32, #tpu.memory_space<vmem_shared>>
    %dma_wait3A_196 = arith.constant 0 : i32
    %dma_wait3A_197 = tpu.memref_slice %arg3[%add3A_89, %dma_wait3A_196] : memref<200x1024xf32, #tpu.memory_space<hbm>> -> memref<1x1024xf32, #tpu.memory_space<hbm>>
    %dma_wait3A_198 = tpu.memref_squeeze %dma_wait3A_197 : memref<1x1024xf32, #tpu.memory_space<hbm>> -> memref<1024xf32, #tpu.memory_space<hbm>>
    tpu.wait_dma2 semaphore(%arg7 : memref<!tpu.dma_semaphore, #tpu.memory_space<semaphore_mem>>) src(%dma_wait3A_198 : memref<1024xf32, #tpu.memory_space<hbm>>) dst(%dma_wait3A_195 : memref<1024xf32, #tpu.memory_space<vmem_shared>>)
    %dma_wait3A_199 = tpu.memref_slice %arg5[%mul3A_109] : memref<204800xf32, #tpu.memory_space<vmem_shared>> -> memref<1024xf32, #tpu.memory_space<vmem_shared>>
    %dma_wait3A_200 = arith.constant 0 : i32
    %dma_wait3A_201 = tpu.memref_slice %arg3[%add3A_103, %dma_wait3A_200] : memref<200x1024xf32, #tpu.memory_space<hbm>> -> memref<1x1024xf32, #tpu.memory_space<hbm>>
    %dma_wait3A_202 = tpu.memref_squeeze %dma_wait3A_201 : memref<1x1024xf32, #tpu.memory_space<hbm>> -> memref<1024xf32, #tpu.memory_space<hbm>>
    tpu.wait_dma2 semaphore(%arg7 : memref<!tpu.dma_semaphore, #tpu.memory_space<semaphore_mem>>) src(%dma_wait3A_202 : memref<1024xf32, #tpu.memory_space<hbm>>) dst(%dma_wait3A_199 : memref<1024xf32, #tpu.memory_space<vmem_shared>>)
    %dma_wait3A_203 = tpu.memref_slice %arg5[%mul3A_123] : memref<204800xf32, #tpu.memory_space<vmem_shared>> -> memref<1024xf32, #tpu.memory_space<vmem_shared>>
    %dma_wait3A_204 = arith.constant 0 : i32
    %dma_wait3A_205 = tpu.memref_slice %arg3[%add3A_117, %dma_wait3A_204] : memref<200x1024xf32, #tpu.memory_space<hbm>> -> memref<1x1024xf32, #tpu.memory_space<hbm>>
    %dma_wait3A_206 = tpu.memref_squeeze %dma_wait3A_205 : memref<1x1024xf32, #tpu.memory_space<hbm>> -> memref<1024xf32, #tpu.memory_space<hbm>>
    tpu.wait_dma2 semaphore(%arg7 : memref<!tpu.dma_semaphore, #tpu.memory_space<semaphore_mem>>) src(%dma_wait3A_206 : memref<1024xf32, #tpu.memory_space<hbm>>) dst(%dma_wait3A_203 : memref<1024xf32, #tpu.memory_space<vmem_shared>>)
    %dma_wait3A_207 = tpu.memref_slice %arg5[%mul3A_137] : memref<204800xf32, #tpu.memory_space<vmem_shared>> -> memref<1024xf32, #tpu.memory_space<vmem_shared>>
    %dma_wait3A_208 = arith.constant 0 : i32
    %dma_wait3A_209 = tpu.memref_slice %arg3[%add3A_131, %dma_wait3A_208] : memref<200x1024xf32, #tpu.memory_space<hbm>> -> memref<1x1024xf32, #tpu.memory_space<hbm>>
    %dma_wait3A_210 = tpu.memref_squeeze %dma_wait3A_209 : memref<1x1024xf32, #tpu.memory_space<hbm>> -> memref<1024xf32, #tpu.memory_space<hbm>>
    tpu.wait_dma2 semaphore(%arg7 : memref<!tpu.dma_semaphore, #tpu.memory_space<semaphore_mem>>) src(%dma_wait3A_210 : memref<1024xf32, #tpu.memory_space<hbm>>) dst(%dma_wait3A_207 : memref<1024xf32, #tpu.memory_space<vmem_shared>>)
    %dma_wait3A_211 = tpu.memref_slice %arg5[%mul3A_151] : memref<204800xf32, #tpu.memory_space<vmem_shared>> -> memref<1024xf32, #tpu.memory_space<vmem_shared>>
    %dma_wait3A_212 = arith.constant 0 : i32
    %dma_wait3A_213 = tpu.memref_slice %arg3[%add3A_145, %dma_wait3A_212] : memref<200x1024xf32, #tpu.memory_space<hbm>> -> memref<1x1024xf32, #tpu.memory_space<hbm>>
    %dma_wait3A_214 = tpu.memref_squeeze %dma_wait3A_213 : memref<1x1024xf32, #tpu.memory_space<hbm>> -> memref<1024xf32, #tpu.memory_space<hbm>>
    tpu.wait_dma2 semaphore(%arg7 : memref<!tpu.dma_semaphore, #tpu.memory_space<semaphore_mem>>) src(%dma_wait3A_214 : memref<1024xf32, #tpu.memory_space<hbm>>) dst(%dma_wait3A_211 : memref<1024xf32, #tpu.memory_space<vmem_shared>>)
    %dma_wait3A_215 = tpu.memref_slice %arg5[%mul3A_165] : memref<204800xf32, #tpu.memory_space<vmem_shared>> -> memref<1024xf32, #tpu.memory_space<vmem_shared>>
    %dma_wait3A_216 = arith.constant 0 : i32
    %dma_wait3A_217 = tpu.memref_slice %arg3[%add3A_159, %dma_wait3A_216] : memref<200x1024xf32, #tpu.memory_space<hbm>> -> memref<1x1024xf32, #tpu.memory_space<hbm>>
    %dma_wait3A_218 = tpu.memref_squeeze %dma_wait3A_217 : memref<1x1024xf32, #tpu.memory_space<hbm>> -> memref<1024xf32, #tpu.memory_space<hbm>>
    tpu.wait_dma2 semaphore(%arg7 : memref<!tpu.dma_semaphore, #tpu.memory_space<semaphore_mem>>) src(%dma_wait3A_218 : memref<1024xf32, #tpu.memory_space<hbm>>) dst(%dma_wait3A_215 : memref<1024xf32, #tpu.memory_space<vmem_shared>>)
    %barrier3A = arith.constant 0 : index
    tpu.barrier barrier_id(%barrier3A)
    %scan3A = arith.constant 0 : i32
    %scan3A_219 = arith.constant 0 : i32
    %scan3A_220 = arith.constant 16 : i32
    %scan3A_221 = arith.addi %scan3A_219, %scan3A_220 : i32
    %scan3A_222 = arith.constant 1 : i32
    %scan3A_223 = scf.for %scan3A_230 = %scan3A_219 to %scan3A_221 step %scan3A_222 iter_args(%scan3A_231 = %scan3A) -> (i32)  : i32 {
      %mul3A_232 = arith.constant 16 : i32
      %mul3A_233 = arith.muli %scan3A_230, %mul3A_232 : i32
      %get3A = arith.index_cast %mul3A_233 : i32 to index
      %get3A_234 = tpu.vector_load %arg6[%get3A] {strides = array<i32>} : memref<256xi32, #tpu.memory_space<vmem>>, vector<16xi32>,
      %get3A_235 = vector.shape_cast %get3A_234 : vector<16xi32> to vector<16xi32>
      %slice3A = vector.extract_strided_slice %get3A_235 {offsets = [0], sizes = [1], strides = [1]} : vector<16xi32> to vector<1xi32>
      %squeeze3A = vector.extract %slice3A[0] : i32 from vector<1xi32>
      %mul3A_236 = arith.constant 1024 : i32
      %mul3A_237 = arith.muli %squeeze3A, %mul3A_236 : i32
      %mul3A_238 = arith.constant 16 : i32
      %mul3A_239 = arith.muli %scan3A_230, %mul3A_238 : i32
      %add3A_240 = arith.addi %mul3A_2, %mul3A_239 : i32
      %add3A_241 = arith.constant 0 : i32
      %add3A_242 = arith.addi %add3A_240, %add3A_241 : i32
      %dma_start3A_243 = arith.constant 0 : i32
      %dma_start3A_244 = tpu.memref_slice %arg4[%add3A_242, %dma_start3A_243] : memref<8192x1024xf32, #tpu.memory_space<hbm>> -> memref<1x1024xf32, #tpu.memory_space<hbm>>
      %dma_start3A_245 = tpu.memref_squeeze %dma_start3A_244 : memref<1x1024xf32, #tpu.memory_space<hbm>> -> memref<1024xf32, #tpu.memory_space<hbm>>
      %dma_start3A_246 = tpu.memref_slice %arg5[%mul3A_237] : memref<204800xf32, #tpu.memory_space<vmem_shared>> -> memref<1024xf32, #tpu.memory_space<vmem_shared>>
      tpu.enqueue_dma source(%dma_start3A_246 : memref<1024xf32, #tpu.memory_space<vmem_shared>>) target(%dma_start3A_245 : memref<1024xf32, #tpu.memory_space<hbm>>) target_semaphore(%arg8 : memref<!tpu.dma_semaphore, #tpu.memory_space<semaphore_mem>>)
      %slice3A_247 = vector.extract_strided_slice %get3A_235 {offsets = [1], sizes = [1], strides = [1]} : vector<16xi32> to vector<1xi32>
      %squeeze3A_248 = vector.extract %slice3A_247[0] : i32 from vector<1xi32>
      %mul3A_249 = arith.constant 1024 : i32
      %mul3A_250 = arith.muli %squeeze3A_248, %mul3A_249 : i32
      %mul3A_251 = arith.constant 16 : i32
      %mul3A_252 = arith.muli %scan3A_230, %mul3A_251 : i32
      %add3A_253 = arith.addi %mul3A_2, %mul3A_252 : i32
      %add3A_254 = arith.constant 1 : i32
      %add3A_255 = arith.addi %add3A_253, %add3A_254 : i32
      %dma_start3A_256 = arith.constant 0 : i32
      %dma_start3A_257 = tpu.memref_slice %arg4[%add3A_255, %dma_start3A_256] : memref<8192x1024xf32, #tpu.memory_space<hbm>> -> memref<1x1024xf32, #tpu.memory_space<hbm>>
      %dma_start3A_258 = tpu.memref_squeeze %dma_start3A_257 : memref<1x1024xf32, #tpu.memory_space<hbm>> -> memref<1024xf32, #tpu.memory_space<hbm>>
      %dma_start3A_259 = tpu.memref_slice %arg5[%mul3A_250] : memref<204800xf32, #tpu.memory_space<vmem_shared>> -> memref<1024xf32, #tpu.memory_space<vmem_shared>>
      tpu.enqueue_dma source(%dma_start3A_259 : memref<1024xf32, #tpu.memory_space<vmem_shared>>) target(%dma_start3A_258 : memref<1024xf32, #tpu.memory_space<hbm>>) target_semaphore(%arg8 : memref<!tpu.dma_semaphore, #tpu.memory_space<semaphore_mem>>)
      %slice3A_260 = vector.extract_strided_slice %get3A_235 {offsets = [2], sizes = [1], strides = [1]} : vector<16xi32> to vector<1xi32>
      %squeeze3A_261 = vector.extract %slice3A_260[0] : i32 from vector<1xi32>
      %mul3A_262 = arith.constant 1024 : i32
      %mul3A_263 = arith.muli %squeeze3A_261, %mul3A_262 : i32
      %mul3A_264 = arith.constant 16 : i32
      %mul3A_265 = arith.muli %scan3A_230, %mul3A_264 : i32
      %add3A_266 = arith.addi %mul3A_2, %mul3A_265 : i32
      %add3A_267 = arith.constant 2 : i32
      %add3A_268 = arith.addi %add3A_266, %add3A_267 : i32
      %dma_start3A_269 = arith.constant 0 : i32
      %dma_start3A_270 = tpu.memref_slice %arg4[%add3A_268, %dma_start3A_269] : memref<8192x1024xf32, #tpu.memory_space<hbm>> -> memref<1x1024xf32, #tpu.memory_space<hbm>>
      %dma_start3A_271 = tpu.memref_squeeze %dma_start3A_270 : memref<1x1024xf32, #tpu.memory_space<hbm>> -> memref<1024xf32, #tpu.memory_space<hbm>>
      %dma_start3A_272 = tpu.memref_slice %arg5[%mul3A_263] : memref<204800xf32, #tpu.memory_space<vmem_shared>> -> memref<1024xf32, #tpu.memory_space<vmem_shared>>
      tpu.enqueue_dma source(%dma_start3A_272 : memref<1024xf32, #tpu.memory_space<vmem_shared>>) target(%dma_start3A_271 : memref<1024xf32, #tpu.memory_space<hbm>>) target_semaphore(%arg8 : memref<!tpu.dma_semaphore, #tpu.memory_space<semaphore_mem>>)
      %slice3A_273 = vector.extract_strided_slice %get3A_235 {offsets = [3], sizes = [1], strides = [1]} : vector<16xi32> to vector<1xi32>
      %squeeze3A_274 = vector.extract %slice3A_273[0] : i32 from vector<1xi32>
      %mul3A_275 = arith.constant 1024 : i32
      %mul3A_276 = arith.muli %squeeze3A_274, %mul3A_275 : i32
      %mul3A_277 = arith.constant 16 : i32
      %mul3A_278 = arith.muli %scan3A_230, %mul3A_277 : i32
      %add3A_279 = arith.addi %mul3A_2, %mul3A_278 : i32
      %add3A_280 = arith.constant 3 : i32
      %add3A_281 = arith.addi %add3A_279, %add3A_280 : i32
      %dma_start3A_282 = arith.constant 0 : i32
      %dma_start3A_283 = tpu.memref_slice %arg4[%add3A_281, %dma_start3A_282] : memref<8192x1024xf32, #tpu.memory_space<hbm>> -> memref<1x1024xf32, #tpu.memory_space<hbm>>
      %dma_start3A_284 = tpu.memref_squeeze %dma_start3A_283 : memref<1x1024xf32, #tpu.memory_space<hbm>> -> memref<1024xf32, #tpu.memory_space<hbm>>
      %dma_start3A_285 = tpu.memref_slice %arg5[%mul3A_276] : memref<204800xf32, #tpu.memory_space<vmem_shared>> -> memref<1024xf32, #tpu.memory_space<vmem_shared>>
      tpu.enqueue_dma source(%dma_start3A_285 : memref<1024xf32, #tpu.memory_space<vmem_shared>>) target(%dma_start3A_284 : memref<1024xf32, #tpu.memory_space<hbm>>) target_semaphore(%arg8 : memref<!tpu.dma_semaphore, #tpu.memory_space<semaphore_mem>>)
      %slice3A_286 = vector.extract_strided_slice %get3A_235 {offsets = [4], sizes = [1], strides = [1]} : vector<16xi32> to vector<1xi32>
      %squeeze3A_287 = vector.extract %slice3A_286[0] : i32 from vector<1xi32>
      %mul3A_288 = arith.constant 1024 : i32
      %mul3A_289 = arith.muli %squeeze3A_287, %mul3A_288 : i32
      %mul3A_290 = arith.constant 16 : i32
      %mul3A_291 = arith.muli %scan3A_230, %mul3A_290 : i32
      %add3A_292 = arith.addi %mul3A_2, %mul3A_291 : i32
      %add3A_293 = arith.constant 4 : i32
      %add3A_294 = arith.addi %add3A_292, %add3A_293 : i32
      %dma_start3A_295 = arith.constant 0 : i32
      %dma_start3A_296 = tpu.memref_slice %arg4[%add3A_294, %dma_start3A_295] : memref<8192x1024xf32, #tpu.memory_space<hbm>> -> memref<1x1024xf32, #tpu.memory_space<hbm>>
      %dma_start3A_297 = tpu.memref_squeeze %dma_start3A_296 : memref<1x1024xf32, #tpu.memory_space<hbm>> -> memref<1024xf32, #tpu.memory_space<hbm>>
      %dma_start3A_298 = tpu.memref_slice %arg5[%mul3A_289] : memref<204800xf32, #tpu.memory_space<vmem_shared>> -> memref<1024xf32, #tpu.memory_space<vmem_shared>>
      tpu.enqueue_dma source(%dma_start3A_298 : memref<1024xf32, #tpu.memory_space<vmem_shared>>) target(%dma_start3A_297 : memref<1024xf32, #tpu.memory_space<hbm>>) target_semaphore(%arg8 : memref<!tpu.dma_semaphore, #tpu.memory_space<semaphore_mem>>)
      %slice3A_299 = vector.extract_strided_slice %get3A_235 {offsets = [5], sizes = [1], strides = [1]} : vector<16xi32> to vector<1xi32>
      %squeeze3A_300 = vector.extract %slice3A_299[0] : i32 from vector<1xi32>
      %mul3A_301 = arith.constant 1024 : i32
      %mul3A_302 = arith.muli %squeeze3A_300, %mul3A_301 : i32
      %mul3A_303 = arith.constant 16 : i32
      %mul3A_304 = arith.muli %scan3A_230, %mul3A_303 : i32
      %add3A_305 = arith.addi %mul3A_2, %mul3A_304 : i32
      %add3A_306 = arith.constant 5 : i32
      %add3A_307 = arith.addi %add3A_305, %add3A_306 : i32
      %dma_start3A_308 = arith.constant 0 : i32
      %dma_start3A_309 = tpu.memref_slice %arg4[%add3A_307, %dma_start3A_308] : memref<8192x1024xf32, #tpu.memory_space<hbm>> -> memref<1x1024xf32, #tpu.memory_space<hbm>>
      %dma_start3A_310 = tpu.memref_squeeze %dma_start3A_309 : memref<1x1024xf32, #tpu.memory_space<hbm>> -> memref<1024xf32, #tpu.memory_space<hbm>>
      %dma_start3A_311 = tpu.memref_slice %arg5[%mul3A_302] : memref<204800xf32, #tpu.memory_space<vmem_shared>> -> memref<1024xf32, #tpu.memory_space<vmem_shared>>
      tpu.enqueue_dma source(%dma_start3A_311 : memref<1024xf32, #tpu.memory_space<vmem_shared>>) target(%dma_start3A_310 : memref<1024xf32, #tpu.memory_space<hbm>>) target_semaphore(%arg8 : memref<!tpu.dma_semaphore, #tpu.memory_space<semaphore_mem>>)
      %slice3A_312 = vector.extract_strided_slice %get3A_235 {offsets = [6], sizes = [1], strides = [1]} : vector<16xi32> to vector<1xi32>
      %squeeze3A_313 = vector.extract %slice3A_312[0] : i32 from vector<1xi32>
      %mul3A_314 = arith.constant 1024 : i32
      %mul3A_315 = arith.muli %squeeze3A_313, %mul3A_314 : i32
      %mul3A_316 = arith.constant 16 : i32
      %mul3A_317 = arith.muli %scan3A_230, %mul3A_316 : i32
      %add3A_318 = arith.addi %mul3A_2, %mul3A_317 : i32
      %add3A_319 = arith.constant 6 : i32
      %add3A_320 = arith.addi %add3A_318, %add3A_319 : i32
      %dma_start3A_321 = arith.constant 0 : i32
      %dma_start3A_322 = tpu.memref_slice %arg4[%add3A_320, %dma_start3A_321] : memref<8192x1024xf32, #tpu.memory_space<hbm>> -> memref<1x1024xf32, #tpu.memory_space<hbm>>
      %dma_start3A_323 = tpu.memref_squeeze %dma_start3A_322 : memref<1x1024xf32, #tpu.memory_space<hbm>> -> memref<1024xf32, #tpu.memory_space<hbm>>
      %dma_start3A_324 = tpu.memref_slice %arg5[%mul3A_315] : memref<204800xf32, #tpu.memory_space<vmem_shared>> -> memref<1024xf32, #tpu.memory_space<vmem_shared>>
      tpu.enqueue_dma source(%dma_start3A_324 : memref<1024xf32, #tpu.memory_space<vmem_shared>>) target(%dma_start3A_323 : memref<1024xf32, #tpu.memory_space<hbm>>) target_semaphore(%arg8 : memref<!tpu.dma_semaphore, #tpu.memory_space<semaphore_mem>>)
      %slice3A_325 = vector.extract_strided_slice %get3A_235 {offsets = [7], sizes = [1], strides = [1]} : vector<16xi32> to vector<1xi32>
      %squeeze3A_326 = vector.extract %slice3A_325[0] : i32 from vector<1xi32>
      %mul3A_327 = arith.constant 1024 : i32
      %mul3A_328 = arith.muli %squeeze3A_326, %mul3A_327 : i32
      %mul3A_329 = arith.constant 16 : i32
      %mul3A_330 = arith.muli %scan3A_230, %mul3A_329 : i32
      %add3A_331 = arith.addi %mul3A_2, %mul3A_330 : i32
      %add3A_332 = arith.constant 7 : i32
      %add3A_333 = arith.addi %add3A_331, %add3A_332 : i32
      %dma_start3A_334 = arith.constant 0 : i32
      %dma_start3A_335 = tpu.memref_slice %arg4[%add3A_333, %dma_start3A_334] : memref<8192x1024xf32, #tpu.memory_space<hbm>> -> memref<1x1024xf32, #tpu.memory_space<hbm>>
      %dma_start3A_336 = tpu.memref_squeeze %dma_start3A_335 : memref<1x1024xf32, #tpu.memory_space<hbm>> -> memref<1024xf32, #tpu.memory_space<hbm>>
      %dma_start3A_337 = tpu.memref_slice %arg5[%mul3A_328] : memref<204800xf32, #tpu.memory_space<vmem_shared>> -> memref<1024xf32, #tpu.memory_space<vmem_shared>>
      tpu.enqueue_dma source(%dma_start3A_337 : memref<1024xf32, #tpu.memory_space<vmem_shared>>) target(%dma_start3A_336 : memref<1024xf32, #tpu.memory_space<hbm>>) target_semaphore(%arg8 : memref<!tpu.dma_semaphore, #tpu.memory_space<semaphore_mem>>)
      %slice3A_338 = vector.extract_strided_slice %get3A_235 {offsets = [8], sizes = [1], strides = [1]} : vector<16xi32> to vector<1xi32>
      %squeeze3A_339 = vector.extract %slice3A_338[0] : i32 from vector<1xi32>
      %mul3A_340 = arith.constant 1024 : i32
      %mul3A_341 = arith.muli %squeeze3A_339, %mul3A_340 : i32
      %mul3A_342 = arith.constant 16 : i32
      %mul3A_343 = arith.muli %scan3A_230, %mul3A_342 : i32
      %add3A_344 = arith.addi %mul3A_2, %mul3A_343 : i32
      %add3A_345 = arith.constant 8 : i32
      %add3A_346 = arith.addi %add3A_344, %add3A_345 : i32
      %dma_start3A_347 = arith.constant 0 : i32
      %dma_start3A_348 = tpu.memref_slice %arg4[%add3A_346, %dma_start3A_347] : memref<8192x1024xf32, #tpu.memory_space<hbm>> -> memref<1x1024xf32, #tpu.memory_space<hbm>>
      %dma_start3A_349 = tpu.memref_squeeze %dma_start3A_348 : memref<1x1024xf32, #tpu.memory_space<hbm>> -> memref<1024xf32, #tpu.memory_space<hbm>>
      %dma_start3A_350 = tpu.memref_slice %arg5[%mul3A_341] : memref<204800xf32, #tpu.memory_space<vmem_shared>> -> memref<1024xf32, #tpu.memory_space<vmem_shared>>
      tpu.enqueue_dma source(%dma_start3A_350 : memref<1024xf32, #tpu.memory_space<vmem_shared>>) target(%dma_start3A_349 : memref<1024xf32, #tpu.memory_space<hbm>>) target_semaphore(%arg8 : memref<!tpu.dma_semaphore, #tpu.memory_space<semaphore_mem>>)
      %slice3A_351 = vector.extract_strided_slice %get3A_235 {offsets = [9], sizes = [1], strides = [1]} : vector<16xi32> to vector<1xi32>
      %squeeze3A_352 = vector.extract %slice3A_351[0] : i32 from vector<1xi32>
      %mul3A_353 = arith.constant 1024 : i32
      %mul3A_354 = arith.muli %squeeze3A_352, %mul3A_353 : i32
      %mul3A_355 = arith.constant 16 : i32
      %mul3A_356 = arith.muli %scan3A_230, %mul3A_355 : i32
      %add3A_357 = arith.addi %mul3A_2, %mul3A_356 : i32
      %add3A_358 = arith.constant 9 : i32
      %add3A_359 = arith.addi %add3A_357, %add3A_358 : i32
      %dma_start3A_360 = arith.constant 0 : i32
      %dma_start3A_361 = tpu.memref_slice %arg4[%add3A_359, %dma_start3A_360] : memref<8192x1024xf32, #tpu.memory_space<hbm>> -> memref<1x1024xf32, #tpu.memory_space<hbm>>
      %dma_start3A_362 = tpu.memref_squeeze %dma_start3A_361 : memref<1x1024xf32, #tpu.memory_space<hbm>> -> memref<1024xf32, #tpu.memory_space<hbm>>
      %dma_start3A_363 = tpu.memref_slice %arg5[%mul3A_354] : memref<204800xf32, #tpu.memory_space<vmem_shared>> -> memref<1024xf32, #tpu.memory_space<vmem_shared>>
      tpu.enqueue_dma source(%dma_start3A_363 : memref<1024xf32, #tpu.memory_space<vmem_shared>>) target(%dma_start3A_362 : memref<1024xf32, #tpu.memory_space<hbm>>) target_semaphore(%arg8 : memref<!tpu.dma_semaphore, #tpu.memory_space<semaphore_mem>>)
      %slice3A_364 = vector.extract_strided_slice %get3A_235 {offsets = [10], sizes = [1], strides = [1]} : vector<16xi32> to vector<1xi32>
      %squeeze3A_365 = vector.extract %slice3A_364[0] : i32 from vector<1xi32>
      %mul3A_366 = arith.constant 1024 : i32
      %mul3A_367 = arith.muli %squeeze3A_365, %mul3A_366 : i32
      %mul3A_368 = arith.constant 16 : i32
      %mul3A_369 = arith.muli %scan3A_230, %mul3A_368 : i32
      %add3A_370 = arith.addi %mul3A_2, %mul3A_369 : i32
      %add3A_371 = arith.constant 10 : i32
      %add3A_372 = arith.addi %add3A_370, %add3A_371 : i32
      %dma_start3A_373 = arith.constant 0 : i32
      %dma_start3A_374 = tpu.memref_slice %arg4[%add3A_372, %dma_start3A_373] : memref<8192x1024xf32, #tpu.memory_space<hbm>> -> memref<1x1024xf32, #tpu.memory_space<hbm>>
      %dma_start3A_375 = tpu.memref_squeeze %dma_start3A_374 : memref<1x1024xf32, #tpu.memory_space<hbm>> -> memref<1024xf32, #tpu.memory_space<hbm>>
      %dma_start3A_376 = tpu.memref_slice %arg5[%mul3A_367] : memref<204800xf32, #tpu.memory_space<vmem_shared>> -> memref<1024xf32, #tpu.memory_space<vmem_shared>>
      tpu.enqueue_dma source(%dma_start3A_376 : memref<1024xf32, #tpu.memory_space<vmem_shared>>) target(%dma_start3A_375 : memref<1024xf32, #tpu.memory_space<hbm>>) target_semaphore(%arg8 : memref<!tpu.dma_semaphore, #tpu.memory_space<semaphore_mem>>)
      %slice3A_377 = vector.extract_strided_slice %get3A_235 {offsets = [11], sizes = [1], strides = [1]} : vector<16xi32> to vector<1xi32>
      %squeeze3A_378 = vector.extract %slice3A_377[0] : i32 from vector<1xi32>
      %mul3A_379 = arith.constant 1024 : i32
      %mul3A_380 = arith.muli %squeeze3A_378, %mul3A_379 : i32
      %mul3A_381 = arith.constant 16 : i32
      %mul3A_382 = arith.muli %scan3A_230, %mul3A_381 : i32
      %add3A_383 = arith.addi %mul3A_2, %mul3A_382 : i32
      %add3A_384 = arith.constant 11 : i32
      %add3A_385 = arith.addi %add3A_383, %add3A_384 : i32
      %dma_start3A_386 = arith.constant 0 : i32
      %dma_start3A_387 = tpu.memref_slice %arg4[%add3A_385, %dma_start3A_386] : memref<8192x1024xf32, #tpu.memory_space<hbm>> -> memref<1x1024xf32, #tpu.memory_space<hbm>>
      %dma_start3A_388 = tpu.memref_squeeze %dma_start3A_387 : memref<1x1024xf32, #tpu.memory_space<hbm>> -> memref<1024xf32, #tpu.memory_space<hbm>>
      %dma_start3A_389 = tpu.memref_slice %arg5[%mul3A_380] : memref<204800xf32, #tpu.memory_space<vmem_shared>> -> memref<1024xf32, #tpu.memory_space<vmem_shared>>
      tpu.enqueue_dma source(%dma_start3A_389 : memref<1024xf32, #tpu.memory_space<vmem_shared>>) target(%dma_start3A_388 : memref<1024xf32, #tpu.memory_space<hbm>>) target_semaphore(%arg8 : memref<!tpu.dma_semaphore, #tpu.memory_space<semaphore_mem>>)
      %slice3A_390 = vector.extract_strided_slice %get3A_235 {offsets = [12], sizes = [1], strides = [1]} : vector<16xi32> to vector<1xi32>
      %squeeze3A_391 = vector.extract %slice3A_390[0] : i32 from vector<1xi32>
      %mul3A_392 = arith.constant 1024 : i32
      %mul3A_393 = arith.muli %squeeze3A_391, %mul3A_392 : i32
      %mul3A_394 = arith.constant 16 : i32
      %mul3A_395 = arith.muli %scan3A_230, %mul3A_394 : i32
      %add3A_396 = arith.addi %mul3A_2, %mul3A_395 : i32
      %add3A_397 = arith.constant 12 : i32
      %add3A_398 = arith.addi %add3A_396, %add3A_397 : i32
      %dma_start3A_399 = arith.constant 0 : i32
      %dma_start3A_400 = tpu.memref_slice %arg4[%add3A_398, %dma_start3A_399] : memref<8192x1024xf32, #tpu.memory_space<hbm>> -> memref<1x1024xf32, #tpu.memory_space<hbm>>
      %dma_start3A_401 = tpu.memref_squeeze %dma_start3A_400 : memref<1x1024xf32, #tpu.memory_space<hbm>> -> memref<1024xf32, #tpu.memory_space<hbm>>
      %dma_start3A_402 = tpu.memref_slice %arg5[%mul3A_393] : memref<204800xf32, #tpu.memory_space<vmem_shared>> -> memref<1024xf32, #tpu.memory_space<vmem_shared>>
      tpu.enqueue_dma source(%dma_start3A_402 : memref<1024xf32, #tpu.memory_space<vmem_shared>>) target(%dma_start3A_401 : memref<1024xf32, #tpu.memory_space<hbm>>) target_semaphore(%arg8 : memref<!tpu.dma_semaphore, #tpu.memory_space<semaphore_mem>>)
      %slice3A_403 = vector.extract_strided_slice %get3A_235 {offsets = [13], sizes = [1], strides = [1]} : vector<16xi32> to vector<1xi32>
      %squeeze3A_404 = vector.extract %slice3A_403[0] : i32 from vector<1xi32>
      %mul3A_405 = arith.constant 1024 : i32
      %mul3A_406 = arith.muli %squeeze3A_404, %mul3A_405 : i32
      %mul3A_407 = arith.constant 16 : i32
      %mul3A_408 = arith.muli %scan3A_230, %mul3A_407 : i32
      %add3A_409 = arith.addi %mul3A_2, %mul3A_408 : i32
      %add3A_410 = arith.constant 13 : i32
      %add3A_411 = arith.addi %add3A_409, %add3A_410 : i32
      %dma_start3A_412 = arith.constant 0 : i32
      %dma_start3A_413 = tpu.memref_slice %arg4[%add3A_411, %dma_start3A_412] : memref<8192x1024xf32, #tpu.memory_space<hbm>> -> memref<1x1024xf32, #tpu.memory_space<hbm>>
      %dma_start3A_414 = tpu.memref_squeeze %dma_start3A_413 : memref<1x1024xf32, #tpu.memory_space<hbm>> -> memref<1024xf32, #tpu.memory_space<hbm>>
      %dma_start3A_415 = tpu.memref_slice %arg5[%mul3A_406] : memref<204800xf32, #tpu.memory_space<vmem_shared>> -> memref<1024xf32, #tpu.memory_space<vmem_shared>>
      tpu.enqueue_dma source(%dma_start3A_415 : memref<1024xf32, #tpu.memory_space<vmem_shared>>) target(%dma_start3A_414 : memref<1024xf32, #tpu.memory_space<hbm>>) target_semaphore(%arg8 : memref<!tpu.dma_semaphore, #tpu.memory_space<semaphore_mem>>)
      %slice3A_416 = vector.extract_strided_slice %get3A_235 {offsets = [14], sizes = [1], strides = [1]} : vector<16xi32> to vector<1xi32>
      %squeeze3A_417 = vector.extract %slice3A_416[0] : i32 from vector<1xi32>
      %mul3A_418 = arith.constant 1024 : i32
      %mul3A_419 = arith.muli %squeeze3A_417, %mul3A_418 : i32
      %mul3A_420 = arith.constant 16 : i32
      %mul3A_421 = arith.muli %scan3A_230, %mul3A_420 : i32
      %add3A_422 = arith.addi %mul3A_2, %mul3A_421 : i32
      %add3A_423 = arith.constant 14 : i32
      %add3A_424 = arith.addi %add3A_422, %add3A_423 : i32
      %dma_start3A_425 = arith.constant 0 : i32
      %dma_start3A_426 = tpu.memref_slice %arg4[%add3A_424, %dma_start3A_425] : memref<8192x1024xf32, #tpu.memory_space<hbm>> -> memref<1x1024xf32, #tpu.memory_space<hbm>>
      %dma_start3A_427 = tpu.memref_squeeze %dma_start3A_426 : memref<1x1024xf32, #tpu.memory_space<hbm>> -> memref<1024xf32, #tpu.memory_space<hbm>>
      %dma_start3A_428 = tpu.memref_slice %arg5[%mul3A_419] : memref<204800xf32, #tpu.memory_space<vmem_shared>> -> memref<1024xf32, #tpu.memory_space<vmem_shared>>
      tpu.enqueue_dma source(%dma_start3A_428 : memref<1024xf32, #tpu.memory_space<vmem_shared>>) target(%dma_start3A_427 : memref<1024xf32, #tpu.memory_space<hbm>>) target_semaphore(%arg8 : memref<!tpu.dma_semaphore, #tpu.memory_space<semaphore_mem>>)
      %slice3A_429 = vector.extract_strided_slice %get3A_235 {offsets = [15], sizes = [1], strides = [1]} : vector<16xi32> to vector<1xi32>
      %squeeze3A_430 = vector.extract %slice3A_429[0] : i32 from vector<1xi32>
      %mul3A_431 = arith.constant 1024 : i32
      %mul3A_432 = arith.muli %squeeze3A_430, %mul3A_431 : i32
      %mul3A_433 = arith.constant 16 : i32
      %mul3A_434 = arith.muli %scan3A_230, %mul3A_433 : i32
      %add3A_435 = arith.addi %mul3A_2, %mul3A_434 : i32
      %add3A_436 = arith.constant 15 : i32
      %add3A_437 = arith.addi %add3A_435, %add3A_436 : i32
      %dma_start3A_438 = arith.constant 0 : i32
      %dma_start3A_439 = tpu.memref_slice %arg4[%add3A_437, %dma_start3A_438] : memref<8192x1024xf32, #tpu.memory_space<hbm>> -> memref<1x1024xf32, #tpu.memory_space<hbm>>
      %dma_start3A_440 = tpu.memref_squeeze %dma_start3A_439 : memref<1x1024xf32, #tpu.memory_space<hbm>> -> memref<1024xf32, #tpu.memory_space<hbm>>
      %dma_start3A_441 = tpu.memref_slice %arg5[%mul3A_432] : memref<204800xf32, #tpu.memory_space<vmem_shared>> -> memref<1024xf32, #tpu.memory_space<vmem_shared>>
      tpu.enqueue_dma source(%dma_start3A_441 : memref<1024xf32, #tpu.memory_space<vmem_shared>>) target(%dma_start3A_440 : memref<1024xf32, #tpu.memory_space<hbm>>) target_semaphore(%arg8 : memref<!tpu.dma_semaphore, #tpu.memory_space<semaphore_mem>>)
      %scan3A_442 = arith.constant 0 : i32
      scf.yield %scan3A_442 : i32
    }
    %scan3A_224 = arith.constant 16 : i32
    %dma_wait3A_225 = arith.constant 0 : i32
    %dma_wait3A_226 = tpu.memref_slice %arg4[%mul3A_2, %dma_wait3A_225] : memref<8192x1024xf32, #tpu.memory_space<hbm>> -> memref<256x1024xf32, #tpu.memory_space<hbm>>
    %dma_wait3A_227 = arith.constant 0 : i32
    %dma_wait3A_228 = arith.constant 0 : i32
    %dma_wait3A_229 = tpu.memref_slice %arg4[%dma_wait3A_227, %dma_wait3A_228] : memref<8192x1024xf32, #tpu.memory_space<hbm>> -> memref<256x1024xf32, #tpu.memory_space<hbm>>
    tpu.wait_dma2 semaphore(%arg8 : memref<!tpu.dma_semaphore, #tpu.memory_space<semaphore_mem>>) src(%dma_wait3A_229 : memref<256x1024xf32, #tpu.memory_space<hbm>>) dst(%dma_wait3A_226 : memref<256x1024xf32, #tpu.memory_space<hbm>>)
    return
  }
}

</mosaic_0001>

<sc_bundles>
// kernel: kernel.3.cloned.1.call-start
scs
__scs_entry_jumppad:
0x0: {  	(pc) =	sbr.rel $0x88, $3  }
0x1: {  	(tag) =	ssettag $0x0;
	lr =	simm.s32 $0x1  }
0x2: {  	[smem:$0x3F9F] =	sst lr;
	_ =	strace $0xD0000000  }
0x3: {  	_ = 	snop  }
0x4: {  	_ = 	snop  }
0x5: {  	_ = 	snop  }
0x6: {  	_ = 	snop  }
0x7: {  	_ = 	snop  }
__scs_overlays_trampoline_lowered:
0x8: {  	[smem:$0x3FAE] =	sst s0  }
0x9: {  	[smem:$0x3FAF] =	sst s1  }
0xa: {  	[smem:$0x3FB0] =	sst s2  }
0xb: {  	[smem:$0x3FB1] =	sst s3  }
0xc: {  	[smem:$0x3FB2] =	sst s4  }
0xd: {  	[smem:$0x3FB3] =	sst s5  }
0xe: {  	[smem:$0x3FB4] =	sst s6  }
0xf: {  	[smem:$0x3FB5] =	sst s7  }
0x10: {  	[smem:$0x3FB6] =	sst s8  }
0x11: {  	[smem:$0x3FB7] =	sst s9;
	s0 =	simm.s32 @!p0 $0x0  }
0x12: {  	s1 =	sld [smem:$0x3F9D];
	s0 =	simm.s32 @p0 $0x1  }
0x13: {  	[smem:$0x3FB8] =	sst s0;
	s0 =	simm.s32 @!p1 $0x0  }
0x14: {  	s2 =	sld [smem:$0x3F9C];
	s0 =	simm.s32 @p1 $0x1  }
0x15: {  	[smem:$0x3FB9] =	sst s0;
	s0 =	simm.s32 @!p2 $0x0  }
0x16: {  	s3 =	sld [smem:$0x3FDB];
	s0 =	simm.s32 @p2 $0x1  }
0x17: {  	s4 =	simm.s32 $0x1BF5;
	[smem:$0x3FBB] =	sst s0  }
0x18: {  	s0 =	sld [smem:$0x3F9E];
	_ =	swait.ge [sflag:s4], $0x0  }
0x19: {  	s7 =	sld [smem:$0x3F9F]  }
0x1a: {  	s8 =	sadd.s32 $0xFFFFE003, lr  }
0x1b: {  	s9 =	sadd.s32 $0xFFFFFEF7, lr;
	s5 =	simm.s32 $0xFFFFFFFF;
	p2 =	slt.u32 s8, $0xFFFFF086  }
0x1c: {  	p1 =	slt.u32 s9, $0xF7A;
	s5 =	simm.s32 @!p2 $0x0  }
0x1d: {  	s5 =	simm.s32 @p1 $0x1;
	p0 =	seq.s32 s7, s2  }
0x1e: {  	s7 =	smul.u32 @!p0 $0xF7A, s2;
	p2 =	seq.s32 @!p0 s5, $0x0  }
0x1f: {  	s9 =	smul.u32 $0xF7A, s1;
	s8 =	simm.s32 @!p0 $0x1BF5;
	p2 =	por !p2, p0  }
0x20: {  	[sflag:s8] =	ssyncset.s32 @!p0 $0xFFFFF086;
	s6 =	sadd.s32 @!p0 s3, s7;
	s7 =	simm.s32 @!p0 $0x108  }
0x21: {  	s3 =	sadd.s32 s3, s9;
	s6 =	sadd.s32 @!p0 $0x88, s6;
	s7 =	simm.s32 @p2 $0x1082  }
0x22: {  	[simem:s7], [sflag:s8] =	dma.local @!p0 [hbm:s6], $0xF7A  }
0x23: {  	s9 =	sor.u32 $0xD0000000, s2;
	s6 =	simm.s32 $0x108;
	_ =	swait.ge @!p0 [sflag:s8], $0x0  }
0x24: {  	s3 =	sadd.s32 $0x88, s3;
	s6 =	simm.s32 @!p1 $0x1082;
	[sflag:s4] =	ssyncset.s32 $0xFFFFF086  }
0x25: {  	[simem:s6], [sflag:s4] =	dma.local [hbm:s3], $0xF7A  }
0x26: {  	[smem:$0x3F9F] =	sst s1;
	(tag) =	ssettag s2;
	_ =	strace s9  }
0x27: {  	s1 =	sld [smem:$0x3FAF]  }
0x28: {  	s2 =	sld [smem:$0x3FB0]  }
0x29: {  	s4 =	sld [smem:$0x3FB2]  }
0x2a: {  	p0 =	seq.s32 s5, $0x0;
	s5 =	sld [smem:$0x3FB3]  }
0x2b: {  	s6 =	sld [smem:$0x3FB4]  }
0x2c: {  	s7 =	sld [smem:$0x3FB5]  }
0x2d: {  	s3 =	simm.s32 $0x108;
	s8 =	sld [smem:$0x3FB6]  }
0x2e: {  	s3 =	simm.s32 @!p0 $0x1082;
	s9 =	sld [smem:$0x3FB7]  }
0x2f: {  	lr =	sadd.s32 s0, s3;
	s0 =	sld [smem:$0x3FAE]  }
0x30: {  	s3 =	sld [smem:$0x3FB1]  }
0x31: {  	[smem:$0x3FBA] =	sst s10  }
0x32: {  	s10 =	sld [smem:$0x3FB8];
	_ =	sdelay $0x3  }
0x33: {  	p0 =	seq.s32 s10, $0x1;
	s10 =	sld [smem:$0x3FBA];
	_ =	sdelay $0x3  }
0x34: {  	[smem:$0x3FBA] =	sst s10  }
0x35: {  	s10 =	sld [smem:$0x3FB9];
	_ =	sdelay $0x3  }
0x36: {  	p1 =	seq.s32 s10, $0x1;
	s10 =	sld [smem:$0x3FBA];
	_ =	sdelay $0x3  }
0x37: {  	[smem:$0x3FBA] =	sst s10  }
0x38: {  	s10 =	sld [smem:$0x3FBB]  }
0x39: {  	_ = 	snop;
	(pc) =	sbr.ind lr, $3  }
0x3a: {  	_ = 	snop  }
0x3b: {  	_ = 	snop  }
0x3c: {  	p2 =	seq.s32 s10, $0x1;
	s10 =	sld [smem:$0x3FBA]  }
0x3d: {  	_ =	shalt  }
0x3e: {  	_ =	shalt  }
0x3f: {  	_ =	shalt  }
0x40: {  	_ =	shalt  }
0x41: {  	_ =	shalt  }
0x42: {  	_ =	shalt  }
0x43: {  	_ =	shalt  }
0x44: {  	_ =	shalt  }
0x45: {  	_ =	shalt  }
0x46: {  	_ =	shalt  }
0x47: {  	_ =	shalt  }
0x48: {  	_ =	shalt  }
0x49: {  	_ =	shalt  }
0x4a: {  	_ =	shalt  }
0x4b: {  	_ =	shalt  }
0x4c: {  	_ =	shalt  }
0x4d: {  	_ =	shalt  }
0x4e: {  	_ =	shalt  }
0x4f: {  	_ =	shalt  }
0x50: {  	_ =	shalt  }
0x51: {  	_ =	shalt  }
0x52: {  	_ =	shalt  }
0x53: {  	_ =	shalt  }
0x54: {  	_ =	shalt  }
0x55: {  	_ =	shalt  }
0x56: {  	_ =	shalt  }
0x57: {  	_ =	shalt  }
0x58: {  	_ =	shalt  }
0x59: {  	_ =	shalt  }
0x5a: {  	_ =	shalt  }
0x5b: {  	_ =	shalt  }
0x5c: {  	_ =	shalt  }
0x5d: {  	_ =	shalt  }
0x5e: {  	_ =	shalt  }
0x5f: {  	_ =	shalt  }
0x60: {  	_ =	shalt  }
0x61: {  	_ =	shalt  }
0x62: {  	_ =	shalt  }
0x63: {  	_ =	shalt  }
0x64: {  	_ =	shalt  }
0x65: {  	_ =	shalt  }
0x66: {  	_ =	shalt  }
0x67: {  	_ =	shalt  }
0x68: {  	_ =	shalt  }
0x69: {  	_ =	shalt  }
0x6a: {  	_ =	shalt  }
0x6b: {  	_ =	shalt  }
0x6c: {  	_ =	shalt  }
0x6d: {  	_ =	shalt  }
0x6e: {  	_ =	shalt  }
0x6f: {  	_ =	shalt  }
0x70: {  	_ =	shalt  }
0x71: {  	_ =	shalt  }
0x72: {  	_ =	shalt  }
0x73: {  	_ =	shalt  }
0x74: {  	_ =	shalt  }
0x75: {  	_ =	shalt  }
0x76: {  	_ =	shalt  }
0x77: {  	_ =	shalt  }
0x78: {  	_ =	shalt  }
0x79: {  	_ =	shalt  }
0x7a: {  	_ =	shalt  }
0x7b: {  	_ =	shalt  }
0x7c: {  	_ =	shalt  }
0x7d: {  	_ =	shalt  }
0x7e: {  	_ =	shalt  }
0x7f: {  	_ =	shalt  }
0x80: {  	_ =	shalt  }
0x81: {  	_ =	shalt  }
0x82: {  	_ =	shalt  }
0x83: {  	_ =	shalt  }
0x84: {  	_ =	shalt  }
0x85: {  	_ =	shalt  }
0x86: {  	_ =	shalt  }
0x87: {  	_ =	shalt  }
.Lfunc_end0:
.L_simem_size_0:
called_computation_lowered:
.L_overlay_start_0:
0x88: {  	s2 =	sld [smem:$0x3FD9]  }
0x89: {  	s3 =	sld [smem:$0x3FFE];
	_ =	sdelay $0x1  }
0x8a: {  	s1 =	srdreg.scid  }
0x8b: {  	s0 =	sand.u32 $0x1, s1  }
0x8c: {  	s18 =	sshll.u32 s0, $0xA;
	s2 =	sadd.s32 s3, s2  }
0x8d: {  	s2 =	sadd.s32 s2, s18  }
0x8e: {  	[smem:$0x3FC6] =	sst s2  }
0x8f: {  	_ = 	snop  }
0x90: {  	s2 =	sld [smem:$0x3FC9]  }
0x91: {  	s19 =	sld [smem:$0x3FC8]  }
0x92: {  	s4 =	sld [smem:$0x3FD0];
	(tm) =	ssettm $0x1  }
0x93: {  	s5 =	sld [smem:$0x3FFB];
	_ =	sdelay $0x3  }
0x94: {  	_ =	strace s5  }
0x95: {  	s5 =	sld [smem:$0x3FFC];
	_ =	sdelay $0x3  }
0x96: {  	_ =	strace s5  }
0x97: {  	s5 =	sld [smem:$0x3FFD];
	_ =	sdelay $0x3  }
0x98: {  	_ =	strace s5  }
0x99: {  	_ =	strace $0x8FFFFFFF  }
0x9a: {  	s20 =	sld [smem:$0x3FDB];
	_ =	sdelay $0x1  }
0x9b: {  	s6 =	simm.s32 $_scs_section_size  }
0x9c: {  	s7 =	simm.s32 $_size__tile_overlayer_lowered;
	s8 =	simm.s32 $_tile_overlayer_lowered  }
0x9d: {  	s23 =	simm.s32 $0x1BFF;
	s22 =	sshll.u32 s8, $0x1;
	s5 =	sadd.s32 s6, s20  }
0x9e: {  	s9 =	simm.s32 $0x0;
	s21 =	sshll.u32 s7, $0x1;
	s7 =	sadd.s32 s22, s5  }
0x9f: {  	[timem:s9], [sflag:s23] =	dma.local [hbm:s7], s21  }
0xa0: {  	_ =	swait.ge [sflag:s23], s21  }
0xa1: {  	s6 =	ssub.s32 $0x0, s21;
	[sflag:s23] =	ssyncset.done $0x0  }
0xa2: {  	[sflag:s23] =	ssyncadd.s32 s6;
	_ =	sdelay $0x1  }
0xa3: {  	s24 =	simm.s32 $0x1B8B  }
0xa4: {  	_ =	swait.ge [sflag:s24], $0x1  }
0xa5: {  	[sflag:s24] =	ssyncset.done $0x0  }
0xa6: {  	s25 =	simm.s32 $0x1B8E;
	[sflag:s24] =	ssyncadd.s32 $0xFFFFFFFF  }
0xa7: {  	s26 =	simm.s32 $execute0_lowered;
	[smem:$0x3FD2] =	sst s25  }
0xa8: {  	s6 =	sshll.u32 s26, $0x1;
	_ =	strace $0x80000046;
	[dreg:$0x1] =	wrdreg $0xFFFFFFFF  }
0xa9: {  	s28 =	simm.s32 $_size_execute0_lowered;
	s5 =	sadd.s32 s5, s6;
	[dreg:$0x0] =	wrdreg $0x0  }
0xaa: {  	s6 =	sshll.u32 s28, $0x1;
	[dreg:$0x2] =	wrdreg s5  }
0xab: {  	[dreg:$0x3] =	wrdreg s6  }
0xac: {  	[dreg:$0x4] =	wrdreg $0xC0  }
0xad: {  	_ =	task [dreg:s9], $0x5FFFF  }
0xae: {  	[dreg:$0x1] =	wrdreg $0xFFFFFFFF  }
0xaf: {  	[dreg:$0x0] =	wrdreg $0x60  }
0xb0: {  	[dreg:$0x2] =	wrdreg s2  }
0xb1: {  	[dreg:$0x3] =	wrdreg s19  }
0xb2: {  	[dreg:$0x4] =	wrdreg s4  }
0xb3: {  	[dreg:$0x5] =	wrdreg $0x0  }
0xb4: {  	[dreg:$0x6] =	wrdreg $0x9  }
0xb5: {  	_ =	task.clear_ibuf [dreg:s9], $0x7FFFF;
	_ =	strace $0x90000046  }
0xb6: {  	s29 =	simm.s32 $0x9;
	_ =	strace $0x80000048  }
0xb7: {  	_ =	swait.ge [sflag:s29], $0x1  }
0xb8: {  	[sflag:s29] =	ssyncadd.s32 $0xFFFFFFFF  }
0xb9: {  	_ =	strace $0x90000048  }
0xba: {  	_ =	sfence  }
0xbb: {  	s30 =	sld [smem:$0x0];
	_ =	sdelay $0x2  }
0xbc: {  	s31 =	sshll.u32 s1, $0xD;
	s1 =	sshrl.u32 s1, $0x2  }
0xbd: {  	s3 =	sand.u32 $0x4000, s31;
	s1 =	sadd.s32 s1, s30  }
0xbe: {  	s0 =	sor.u32 s3, s0;
	s1 =	sshll.u32 s1, $0x11  }
0xbf: {  	s0 =	sor.u32 s1, s0  }
0xc0: {  	s0 =	sadd.s32 $0x8F2B, s0  }
0xc1: {  	[sflag:s0] =	ssyncadd.remote.s32 $0x1  }
0xc2: {  	_ =	sfence.sel $0xFFFF  }
0xc3: {  	[dreg:$0x0] =	wrdreg $0xFFFFFFFF;
	(pc) =	sbr.abs _section_cstart, $3  }
0xc4: {  	[dreg:$0x1] =	wrdreg $0xFFFFFFFF  }
0xc5: {  	_ =	task.clear_ibuf [dreg:s9], $0x2FFFF;
	_ =	strace $0x9FFFFFFF  }
0xc6: {  	(tm) =	ssettm $0x7FFFFFFF  }
0xc7: {  	_ =	shalt  }
tec
execute0_lowered:
.L_overlay_start_1:
0x0: {  	(tag) =	ssettag $0x1  }
0x1: {  	s0 =	srdreg.scid;
	s3 =	stileid.u32  }
0x2: {  	s13 =	sand.u32 $0x1, s0;
	s2 =	smul.u32 $0xC, s3  }
0x3: {  	s30 =	rddreg [dreg:$0x3];
	s10 =	smul.u32 $0x3000, s3;
	s1 =	ssub.s32 $0x2, s13  }
0x4: {  	s0 =	rddreg [dreg:$0x1];
	p0 =	sne.s32 s3, $0x0;
	s4 =	sshrl.u32 s1, $0x1  }
0x5: {  	s6 =	sor.u32 $0x1, s2;
	s5 =	sor.u32 $0x2, s2;
	s11 =	sand.u32 $0x3E000, s10  }
0x6: {  	s8 =	sor.u32 $0x3, s2;
	s1 =	ssub.s32 s1, s4;
	s23 =	sshll.u32 s6, $0x7  }
0x7: {  	s7 =	sshll.u32 s5, $0x7;
	s14 =	sshll.u32 s8, $0x7;
	s5 =	sshll.u32 s5, $0xA  }
0x8: {  	s8 =	sshll.u32 s8, $0xA;
	s4 =	sand.u32 $0x280, s23;
	s7 =	sand.u32 $0x300, s7  }
0x9: {  	s14 =	sand.u32 $0x380, s14;
	s5 =	sadd.s32 s5, s30;
	s9 =	sor.u32 s11, s4  }
0xa: {  	s4 =	sadd.s32 $0x4, s2;
	s7 =	sor.u32 s11, s7;
	s14 =	sor.u32 s11, s14  }
0xb: {  	s11 =	sadd.s32 $0x5, s2;
	s12 =	sshll.u32 s4, $0x4;
	s15 =	sshll.u32 s4, $0x7  }
0xc: {  	s25 =	sshll.u32 s11, $0x7;
	s16 =	sshll.u32 s11, $0x4;
	s7 =	sshrl.u32 s7, $0x3  }
0xd: {  	s4 =	sshll.u32 s4, $0xA;
	s11 =	sshll.u32 s11, $0xA;
	s12 =	sand.u32 $0x40, s12  }
0xe: {  	s15 =	sand.u32 $0xFC00, s15;
	s17 =	sand.u32 $0xFC00, s25;
	s26 =	sand.u32 $0x50, s16  }
0xf: {  	s4 =	sadd.s32 s4, s30;
	s12 =	sadd.s32 s0, s12;
	s18 =	sadd.s32 s0, s26  }
0x10: {  	s24 =	sadd.s32 s15, s12;
	s12 =	sadd.s32 $0x6, s2;
	s15 =	sadd.s32 $0x7, s2  }
0x11: {  	s17 =	sadd.s32 s17, s18;
	[dreg:$0xe] =	wrdreg s24;
	s28 =	sshll.u32 s12, $0x4  }
0x12: {  	s29 =	sshll.u32 s12, $0x7;
	[dreg:$0xf] =	wrdreg s17;
	s16 =	sand.u32 $0x60, s28  }
0x13: {  	s20 =	sshll.u32 s15, $0x7;
	s19 =	sand.u32 $0xFC00, s29;
	s16 =	sadd.s32 s0, s16  }
0x14: {  	s12 =	sshll.u32 s12, $0xA;
	s16 =	sadd.s32 s19, s16;
	s19 =	sshll.u32 s15, $0x4  }
0x15: {  	s17 =	sand.u32 $0xFC00, s20;
	s15 =	sshll.u32 s15, $0xA;
	s21 =	sand.u32 $0x70, s19  }
0x16: {  	[dreg:$0x10] =	wrdreg s16;
	s16 =	sadd.s32 $0x9, s2;
	s18 =	sadd.s32 s0, s21  }
0x17: {  	s22 =	sshll.u32 s16, $0x4;
	s23 =	sshll.u32 s16, $0x7;
	s17 =	sadd.s32 s17, s18  }
0x18: {  	s24 =	sand.u32 $0x50, s22;
	s25 =	sand.u32 $0xFC00, s23;
	s22 =	simm.s32 $0x0  }
0x19: {  	s23 =	sshll.u32 s13, $0x8;
	[dreg:$0x11] =	wrdreg s17;
	s18 =	sadd.s32 s0, s24  }
0x1a: {  	s17 =	sadd.s32 $0xA, s2;
	[smem:$0x7FF] =	sst s22;
	s18 =	sadd.s32 s25, s18  }
0x1b: {  	s13 =	sshll.u32 s13, $0xF;
	s26 =	sshll.u32 s17, $0x7;
	[dreg:$0x12] =	wrdreg s18  }
0x1c: {  	s28 =	sshll.u32 s17, $0x4;
	s20 =	sand.u32 $0xFC00, s26;
	s26 =	rddreg [dreg:$0x0]  }
0x1d: {  	s19 =	sand.u32 $0x60, s28;
	s18 =	sadd.s32 $0xB, s2;
	s28 =	rddreg [dreg:$0x2]  }
0x1e: {  	s2 =	sshll.u32 s2, $0xA;
	s19 =	sadd.s32 s0, s19;
	s21 =	sshll.u32 s18, $0x4  }
0x1f: {  	s24 =	sshll.u32 s18, $0x7;
	s2 =	sadd.s32 $0x2000, s2;
	s19 =	sadd.s32 s20, s19  }
0x20: {  	s29 =	sand.u32 $0x70, s21;
	s20 =	sshll.u32 s3, $0x9;
	s22 =	sand.u32 $0xFC00, s24  }
0x21: {  	[dreg:$0x13] =	wrdreg s19;
	s21 =	sor.u32 s23, s20;
	s19 =	sadd.s32 s0, s29  }
0x22: {  	s29 =	sshll.u32 s3, $0x10;
	s23 =	smul.u32 $0xC000, s3;
	s19 =	sadd.s32 s22, s19  }
0x23: {  	s25 =	sshrl.u32 s21, $0x3;
	s22 =	sor.u32 s20, s10;
	s10 =	sshll.u32 s3, $0x6  }
0x24: {  	[dreg:$0x14] =	wrdreg s19;
	s19 =	sadd.s32 s26, s25;
	s24 =	sand.u32 $0x3E200, s22  }
0x25: {  	s25 =	sshrl.u32 s23, $0x2;
	s22 =	sadd.s32 $0x6000, s0;
	[dreg:$0x15] =	wrdreg s19  }
0x26: {  	s23 =	sadd.s32 $0x6010, s0;
	_ =	strace $0x80000047;
	[dreg:$0x1c] =	wrdreg s22  }
0x27: {  	s21 =	sshll.u32 s18, $0xA;
	s18 =	sshrl.u32 s5, $0x3;
	[dreg:$0x1d] =	wrdreg s23  }
0x28: {  	s19 =	sadd.s32 s29, s28;
	s28 =	sshll.u32 s6, $0xA;
	[smem:$0x7EB] =	sst s18  }
0x29: {  	s29 =	sshrl.u32 s9, $0x3;
	s13 =	sadd.s32 s13, s19;
	[dreg:$0x17] =	wrdreg s10  }
0x2a: {  	s9 =	sshrl.u32 s14, $0x3;
	s6 =	sadd.s32 s0, s29;
	[dreg:$0x5] =	wrdreg s13  }
0x2b: {  	s19 =	sshrl.u32 s24, $0x3;
	s24 =	sadd.s32 $0x6020, s0;
	[dreg:$0x18] =	wrdreg s6  }
0x2c: {  	s3 =	sadd.s32 s28, s30;
	s28 =	sadd.s32 $0x6050, s0;
	[dreg:$0x1e] =	wrdreg s24  }
0x2d: {  	s14 =	sor.u32 s20, s2;
	s29 =	sadd.s32 $0x6060, s0;
	[smem:$0x7E5] =	sst s28  }
0x2e: {  	s2 =	sadd.s32 s2, s30;
	s26 =	sadd.s32 s0, s19;
	[smem:$0x7E6] =	sst s29  }
0x2f: {  	s20 =	sshll.u32 s17, $0xA;
	s6 =	sadd.s32 s0, s7;
	[dreg:$0x16] =	wrdreg s26  }
0x30: {  	s13 =	sadd.s32 s25, s30;
	s7 =	sadd.s32 s0, s9;
	[dreg:$0x19] =	wrdreg s6  }
0x31: {  	s9 =	sand.u32 $0x7E200, s14;
	s25 =	sadd.s32 $0x6030, s0;
	[dreg:$0x1a] =	wrdreg s7  }
0x32: {  	s19 =	sshll.u32 s16, $0xA;
	s17 =	sshrl.u32 s3, $0x3;
	[dreg:$0x1f] =	wrdreg s25  }
0x33: {  	s14 =	sadd.s32 s21, s30;
	s24 =	sshrl.u32 s2, $0x3;
	[smem:$0x7EA] =	sst s17  }
0x34: {  	s29 =	sor.u32 $0x1C01, s10;
	s6 =	sadd.s32 s8, s30;
	[smem:$0x7F1] =	sst s24  }
0x35: {  	s7 =	sadd.s32 s11, s30;
	s26 =	sadd.s32 $0x6040, s0;
	[smem:$0x7FD] =	sst s29  }
0x36: {  	s11 =	sadd.s32 s15, s30;
	s15 =	smax.u32 s1, $0x1;
	[smem:$0x7E4] =	sst s26  }
0x37: {  	s8 =	sadd.s32 s12, s30;
	s16 =	sshrl.u32 s13, $0x3;
	[smem:$0x7E8] =	sst s15  }
0x38: {  	s12 =	sadd.s32 s20, s30;
	s20 =	sshrl.u32 s4, $0x3;
	[smem:$0x7E9] =	sst s16  }
0x39: {  	s9 =	sshrl.u32 s9, $0x3;
	s28 =	sshrl.u32 s14, $0x3;
	[smem:$0x7ED] =	sst s20  }
0x3a: {  	s9 =	sadd.s32 s0, s9;
	[smem:$0x7F4] =	sst s28  }
0x3b: {  	s0 =	sadd.s32 $0x6070, s0;
	[dreg:$0x1b] =	wrdreg s9  }
0x3c: {  	s21 =	sshrl.u32 s7, $0x3;
	[smem:$0x7E7] =	sst s0  }
0x3d: {  	s22 =	sshrl.u32 s8, $0x3;
	[smem:$0x7EE] =	sst s21;
	s0 =	sadd.s32 $0x30000, s30  }
0x3e: {  	s1 =	sadd.s32 $0x30400, s30;
	[smem:$0x7EF] =	sst s22;
	s0 =	sshrl.u32 @!p0 s0, $0x3  }
0x3f: {  	[smem:$0x7F5] =	sst s0;
	s0 =	sshrl.u32 @!p0 s1, $0x3  }
0x40: {  	s23 =	sshrl.u32 s11, $0x3;
	[smem:$0x7F6] =	sst s0;
	s0 =	sadd.s32 $0x30800, s30  }
0x41: {  	[smem:$0x7F0] =	sst s23;
	s0 =	sshrl.u32 @!p0 s0, $0x3  }
0x42: {  	s26 =	sshrl.u32 s12, $0x3;
	[smem:$0x7F7] =	sst s0;
	s0 =	sadd.s32 $0x30C00, s30  }
0x43: {  	[smem:$0x7F3] =	sst s26;
	s1 =	sadd.s32 $0x31000, s30;
	s0 =	sshrl.u32 @!p0 s0, $0x3  }
0x44: {  	s9 =	sadd.s32 s19, s30;
	[smem:$0x7F8] =	sst s0;
	s0 =	sshrl.u32 @!p0 s1, $0x3  }
0x45: {  	s19 =	sshrl.u32 s6, $0x3;
	[smem:$0x7F9] =	sst s0;
	s0 =	sadd.s32 $0x31400, s30  }
0x46: {  	[smem:$0x7EC] =	sst s19;
	s0 =	sshrl.u32 @!p0 s0, $0x3  }
0x47: {  	s25 =	sshrl.u32 s9, $0x3;
	[smem:$0x7FA] =	sst s0;
	s0 =	sadd.s32 $0x31800, s30  }
0x48: {  	[smem:$0x7F2] =	sst s25;
	s1 =	sadd.s32 $0x31C00, s30;
	s0 =	sshrl.u32 @!p0 s0, $0x3  }
0x49: {  	s31 =	simm.s32 $0x10;
	[smem:$0x7FB] =	sst s0;
	s0 =	sshrl.u32 @!p0 s1, $0x3  }
0x4a: {  	s2 =	simm.s32 $0x0;
	s22 =	simm.s32 $0x1;
	[smem:$0x7FC] =	sst s0  }
.LBB2_1:
0x4b: {  	[smem:$0x7E3] =	sst s2  }
0x4c: {  	s1 =	sld [smem:$0x7E9]  }
0x4d: {  	s5 =	sld [smem:$0x7FD]  }
0x4e: {  	s0 =	rddreg [dreg:$0x16]  }
0x4f: {  	s6 =	simm.s32 $0x1;
	s21 =	simm.s32 $0x10;
	s3 =	simm.s32 $0x80  }
0x50: {  	[spmem:s1@s21], [sflag:s5] =	dma.strided [hbm:s0@s3], $0x80, s6, $0x10   }
0x51: {  	s1 =	sld [smem:$0x7EA];
	_ =	sdelay $0x1  }
0x52: {  	s0 =	rddreg [dreg:$0x18]  }
0x53: {  	[spmem:s1@s21], [sflag:s5] =	dma.strided [hbm:s0@s3], $0x80, s6, $0x10   }
0x54: {  	s1 =	sld [smem:$0x7EB];
	_ =	sdelay $0x1  }
0x55: {  	s0 =	rddreg [dreg:$0x19]  }
0x56: {  	[spmem:s1@s21], [sflag:s5] =	dma.strided [hbm:s0@s3], $0x80, s6, $0x10   }
0x57: {  	s1 =	sld [smem:$0x7EC];
	_ =	sdelay $0x1  }
0x58: {  	s0 =	rddreg [dreg:$0x1a]  }
0x59: {  	[spmem:s1@s21], [sflag:s5] =	dma.strided [hbm:s0@s3], $0x80, s6, $0x10   }
0x5a: {  	s1 =	sld [smem:$0x7ED];
	_ =	sdelay $0x1  }
0x5b: {  	s0 =	rddreg [dreg:$0xe]  }
0x5c: {  	[spmem:s1@s21], [sflag:s5] =	dma.strided [hbm:s0@s3], $0x80, s6, $0x10   }
0x5d: {  	s1 =	sld [smem:$0x7EE];
	_ =	sdelay $0x1  }
0x5e: {  	s0 =	rddreg [dreg:$0xf]  }
0x5f: {  	[spmem:s1@s21], [sflag:s5] =	dma.strided [hbm:s0@s3], $0x80, s6, $0x10   }
0x60: {  	s1 =	sld [smem:$0x7EF];
	_ =	sdelay $0x1  }
0x61: {  	s0 =	rddreg [dreg:$0x10]  }
0x62: {  	[spmem:s1@s21], [sflag:s5] =	dma.strided [hbm:s0@s3], $0x80, s6, $0x10   }
0x63: {  	s1 =	sld [smem:$0x7F0];
	_ =	sdelay $0x1  }
0x64: {  	s0 =	rddreg [dreg:$0x11]  }
0x65: {  	[spmem:s1@s21], [sflag:s5] =	dma.strided [hbm:s0@s3], $0x80, s6, $0x10   }
0x66: {  	s1 =	sld [smem:$0x7F1];
	_ =	sdelay $0x1  }
0x67: {  	s0 =	rddreg [dreg:$0x1b]  }
0x68: {  	[spmem:s1@s21], [sflag:s5] =	dma.strided [hbm:s0@s3], $0x80, s6, $0x10   }
0x69: {  	s1 =	sld [smem:$0x7F2];
	_ =	sdelay $0x1  }
0x6a: {  	s0 =	rddreg [dreg:$0x12]  }
0x6b: {  	[spmem:s1@s21], [sflag:s5] =	dma.strided [hbm:s0@s3], $0x80, s6, $0x10   }
0x6c: {  	s1 =	sld [smem:$0x7F3];
	_ =	sdelay $0x1  }
0x6d: {  	s0 =	rddreg [dreg:$0x13]  }
0x6e: {  	[spmem:s1@s21], [sflag:s5] =	dma.strided [hbm:s0@s3], $0x80, s6, $0x10   }
0x6f: {  	s1 =	sld [smem:$0x7F4];
	_ =	sdelay $0x1  }
0x70: {  	s0 =	rddreg [dreg:$0x14]  }
0x71: {  	[spmem:s1@s21], [sflag:s5] =	dma.strided [hbm:s0@s3], $0x80, s6, $0x10   }
0x72: {  	s4 =	sld [smem:$0x7F5]  }
0x73: {  	s2 =	simm.s32 @!p0 $0x80  }
0x74: {  	s0 =	simm.s32 @!p0 $0x1;
	s1 =	simm.s32 @!p0 $0x10;
	s3 =	rddreg [dreg:$0x1c]  }
0x75: {  	[spmem:s4@s1], [sflag:s5] =	dma.strided @!p0 [hbm:s3@s2], $0x80, s0, $0x10   }
0x76: {  	s4 =	sld [smem:$0x7F6];
	_ =	sdelay $0x1  }
0x77: {  	s3 =	rddreg [dreg:$0x1d]  }
0x78: {  	[spmem:s4@s1], [sflag:s5] =	dma.strided @!p0 [hbm:s3@s2], $0x80, s0, $0x10   }
0x79: {  	s4 =	sld [smem:$0x7F7];
	_ =	sdelay $0x1  }
0x7a: {  	s3 =	rddreg [dreg:$0x1e]  }
0x7b: {  	[spmem:s4@s1], [sflag:s5] =	dma.strided @!p0 [hbm:s3@s2], $0x80, s0, $0x10   }
0x7c: {  	s4 =	sld [smem:$0x7F8];
	_ =	sdelay $0x1  }
0x7d: {  	s3 =	rddreg [dreg:$0x1f]  }
0x7e: {  	[spmem:s4@s1], [sflag:s5] =	dma.strided @!p0 [hbm:s3@s2], $0x80, s0, $0x10   }
0x7f: {  	s3 =	sld [smem:$0x7E4]  }
0x80: {  	s4 =	sld [smem:$0x7F9];
	_ =	sdelay $0x2  }
0x81: {  	[spmem:s4@s1], [sflag:s5] =	dma.strided @!p0 [hbm:s3@s2], $0x80, s0, $0x10   }
0x82: {  	s3 =	sld [smem:$0x7E5]  }
0x83: {  	s4 =	sld [smem:$0x7FA];
	_ =	sdelay $0x2  }
0x84: {  	[spmem:s4@s1], [sflag:s5] =	dma.strided @!p0 [hbm:s3@s2], $0x80, s0, $0x10   }
0x85: {  	s3 =	sld [smem:$0x7E6]  }
0x86: {  	s4 =	sld [smem:$0x7FB];
	_ =	sdelay $0x2  }
0x87: {  	[spmem:s4@s1], [sflag:s5] =	dma.strided @!p0 [hbm:s3@s2], $0x80, s0, $0x10   }
0x88: {  	s3 =	sld [smem:$0x7E7]  }
0x89: {  	s4 =	sld [smem:$0x7FC];
	_ =	sdelay $0x2  }
0x8a: {  	[spmem:s4@s1], [sflag:s5] =	dma.strided @!p0 [hbm:s3@s2], $0x80, s0, $0x10   }
0x8b: {  	_ =	swait.ge @!p0 [sflag:s0], $0x80  }
0x8c: {  	[sflag:s0] =	ssyncset.done @!p0 $0x0  }
0x8d: {  	[sflag:s0] =	ssyncadd.s32 @!p0 $0xFFFFFF80  }
0x8e: {  	_ =	swait.ge @!p0 [sflag:s0], $0x80  }
0x8f: {  	[sflag:s0] =	ssyncset.done @!p0 $0x0  }
0x90: {  	[sflag:s0] =	ssyncadd.s32 @!p0 $0xFFFFFF80  }
0x91: {  	_ =	swait.ge @!p0 [sflag:s0], $0x80  }
0x92: {  	[sflag:s0] =	ssyncset.done @!p0 $0x0  }
0x93: {  	[sflag:s0] =	ssyncadd.s32 @!p0 $0xFFFFFF80  }
0x94: {  	_ =	swait.ge @!p0 [sflag:s0], $0x80  }
0x95: {  	[sflag:s0] =	ssyncset.done @!p0 $0x0  }
0x96: {  	[sflag:s0] =	ssyncadd.s32 @!p0 $0xFFFFFF80  }
0x97: {  	_ =	swait.ge @!p0 [sflag:s0], $0x80  }
0x98: {  	[sflag:s0] =	ssyncset.done @!p0 $0x0  }
0x99: {  	[sflag:s0] =	ssyncadd.s32 @!p0 $0xFFFFFF80  }
0x9a: {  	_ =	swait.ge @!p0 [sflag:s0], $0x80  }
0x9b: {  	[sflag:s0] =	ssyncset.done @!p0 $0x0  }
0x9c: {  	[sflag:s0] =	ssyncadd.s32 @!p0 $0xFFFFFF80  }
0x9d: {  	_ =	swait.ge @!p0 [sflag:s0], $0x80  }
0x9e: {  	[sflag:s0] =	ssyncset.done @!p0 $0x0  }
0x9f: {  	[sflag:s0] =	ssyncadd.s32 @!p0 $0xFFFFFF80  }
0xa0: {  	_ =	swait.ge @!p0 [sflag:s0], $0x80  }
0xa1: {  	s23 =	simm.s32 $0x3200;
	s24 =	simm.s32 $0x0;
	[sflag:s0] =	ssyncset.done @!p0 $0x0  }
0xa2: {  	s26 =	simm.s32 $0x3;
	s25 =	rddreg [dreg:$0x15];
	[sflag:s0] =	ssyncadd.s32 @!p0 $0xFFFFFF80  }
0xa3: {  	[tilespmem:s23], [sflag:$0x3] =	stream.linear.gather [hbm4b:s25+s24], $0x100, $0x38;
	[tilespmem:$0x3300] =	vst v63  }
0xa4: {  	_ =	swait.ge [sflag:s26], $0x100  }
0xa5: {  	[sflag:s26] =	ssyncset.done $0x0  }
0xa6: {  	[sflag:s26] =	ssyncadd.s32 $0xFFFFFF00  }
0xa7: {  	_ =	swait.ge [sflag:s6], $0x80  }
0xa8: {  	[sflag:s6] =	ssyncset.done $0x0  }
0xa9: {  	[sflag:s6] =	ssyncadd.s32 $0xFFFFFF80  }
0xaa: {  	_ =	swait.ge [sflag:s6], $0x80  }
0xab: {  	[sflag:s6] =	ssyncset.done $0x0  }
0xac: {  	[sflag:s6] =	ssyncadd.s32 $0xFFFFFF80  }
0xad: {  	_ =	swait.ge [sflag:s6], $0x80  }
0xae: {  	[sflag:s6] =	ssyncset.done $0x0  }
0xaf: {  	[sflag:s6] =	ssyncadd.s32 $0xFFFFFF80  }
0xb0: {  	_ =	swait.ge [sflag:s6], $0x80  }
0xb1: {  	[sflag:s6] =	ssyncset.done $0x0  }
0xb2: {  	[sflag:s6] =	ssyncadd.s32 $0xFFFFFF80  }
0xb3: {  	_ =	swait.ge [sflag:s6], $0x80  }
0xb4: {  	[sflag:s6] =	ssyncset.done $0x0  }
0xb5: {  	[sflag:s6] =	ssyncadd.s32 $0xFFFFFF80  }
0xb6: {  	_ =	swait.ge [sflag:s6], $0x80  }
0xb7: {  	[sflag:s6] =	ssyncset.done $0x0  }
0xb8: {  	[sflag:s6] =	ssyncadd.s32 $0xFFFFFF80  }
0xb9: {  	_ =	swait.ge [sflag:s6], $0x80  }
0xba: {  	[sflag:s6] =	ssyncset.done $0x0  }
0xbb: {  	[sflag:s6] =	ssyncadd.s32 $0xFFFFFF80  }
0xbc: {  	_ =	swait.ge [sflag:s6], $0x80  }
0xbd: {  	[sflag:s6] =	ssyncset.done $0x0  }
0xbe: {  	[sflag:s6] =	ssyncadd.s32 $0xFFFFFF80  }
0xbf: {  	_ =	swait.ge [sflag:s6], $0x80  }
0xc0: {  	[sflag:s6] =	ssyncset.done $0x0  }
0xc1: {  	[sflag:s6] =	ssyncadd.s32 $0xFFFFFF80  }
0xc2: {  	_ =	swait.ge [sflag:s6], $0x80  }
0xc3: {  	[sflag:s6] =	ssyncset.done $0x0  }
0xc4: {  	[sflag:s6] =	ssyncadd.s32 $0xFFFFFF80  }
0xc5: {  	_ =	swait.ge [sflag:s6], $0x80  }
0xc6: {  	[sflag:s6] =	ssyncset.done $0x0  }
0xc7: {  	[sflag:s6] =	ssyncadd.s32 $0xFFFFFF80  }
0xc8: {  	_ =	swait.ge [sflag:s6], $0x80  }
0xc9: {  	[sflag:s6] =	ssyncset.done $0x0  }
0xca: {  	[sflag:s6] =	ssyncadd.s32 $0xFFFFFF80  }
0xcb: {  	[bflag:$0x0] =	sbarrier.arrive $0xFFFF  }
0xcc: {  	v0 =	vld [tilespmem:s23+$0x0];
	_ =	sdelay $0x4  }
0xcd: {  	v0 =	vshll.u32 v0, $0xC  }
0xce: {  	v0 =	vshra.s32 v0, $0x2  }
0xcf: {  	v0 =	vadd.s32 s30, v0  }
0xd0: {  	v0 =	vshrl.u32 v0, $0x3  }
0xd1: {  	(v2sf) =	vpush v0, $0xE  }
0xd2: {  	(v2sf) =	vpush v0, $0xC  }
0xd3: {  	(v2sf) =	vpush v0, $0xA  }
0xd4: {  	(v2sf) =	vpush v0, $0x9  }
0xd5: {  	(v2sf) =	vpush v0, $0x8  }
0xd6: {  	(v2sf) =	vpush v0, $0x7  }
0xd7: {  	(v2sf) =	vpush v0, $0x6  }
0xd8: {  	(v2sf) =	vpush v0, $0x5  }
0xd9: {  	(v2sf) =	vpush v0, $0x4;
	_ =	sdelay $0x6  }
0xda: {  	s17 =	spop (v2sf)  }
0xdb: {  	s18 =	spop (v2sf)  }
0xdc: {  	(v2sf) =	vpush v0, $0x3;
	s19 =	spop (v2sf)  }
0xdd: {  	(v2sf) =	vpush v0, $0x2;
	s20 =	spop (v2sf)  }
0xde: {  	(v2sf) =	vpush v0, $0x0;
	s21 =	spop (v2sf)  }
0xdf: {  	s24 =	simm.s32 $0x800;
	s28 =	rddreg [dreg:$0x5];
	(v2sf) =	vpush v0, $0x1;
	s15 =	spop (v2sf)  }
0xe0: {  	s26 =	simm.s32 $0x3210;
	s29 =	rddreg [dreg:$0x17];
	(v2sf) =	vpush v0, $0xB;
	s1 =	spop (v2sf)  }
0xe1: {  	s23 =	sor.u32 $0x1C02, s29;
	s0 =	sadd.s32 $0x0, s28;
	(v2sf) =	vpush v0, $0xD;
	s2 =	spop (v2sf)  }
0xe2: {  	s4 =	sadd.s32 $0x10, s0;
	s5 =	sadd.s32 $0x430, s0;
	(v2sf) =	vpush v0, $0xF;
	s3 =	spop (v2sf)  }
.LBB2_2:
0xe3: {  	_ =	sdelay $0x4  }
0xe4: {  	[dreg:$0xb] =	wrdreg s18  }
0xe5: {  	[dreg:$0x9] =	wrdreg s20;
	s6 =	sadd.s32 $0x40, s0;
	s25 =	sadd.s32 $0x450, s0  }
0xe6: {  	s11 =	sadd.s32 $0x20, s0;
	s13 =	sadd.s32 $0x30, s0;
	s12 =	sadd.s32 $0x50, s0  }
0xe7: {  	s29 =	sadd.s32 $0x70, s0;
	[dreg:$0xa] =	wrdreg s6;
	s28 =	spop (v2sf)  }
0xe8: {  	s8 =	smov.u32 s21;
	[dreg:$0x6] =	wrdreg s25;
	s14 =	spop (v2sf)  }
0xe9: {  	s7 =	sadd.s32 $0x460, s0;
	[dreg:$0xc] =	wrdreg s29;
	s20 =	spop (v2sf)  }
0xea: {  	s9 =	sadd.s32 $0x470, s0;
	[dreg:$0x7] =	wrdreg s7;
	s16 =	spop (v2sf)  }
0xeb: {  	s21 =	sadd.s32 $0x60, s0;
	[dreg:$0x8] =	wrdreg s9;
	s18 =	spop (v2sf)  }
0xec: {  	s10 =	sadd.s32 $0x420, s0;
	[dreg:$0xd] =	wrdreg s28;
	s28 =	spop (v2sf)  }
0xed: {  	s9 =	smov.u32 s17;
	s17 =	simm.s32 $0x80;
	s29 =	spop (v2sf)  }
0xee: {  	[hbm:s0@s17], [sflag:s23] =	dma.strided [spmem:s20@s31], $0x80, s22, $0x10   }
0xef: {  	[hbm:s4@s17], [sflag:s23] =	dma.strided [spmem:s16@s31], $0x80, s22, $0x10   }
0xf0: {  	[hbm:s11@s17], [sflag:s23] =	dma.strided [spmem:s14@s31], $0x80, s22, $0x10   }
0xf1: {  	s6 =	smov.u32 s19;
	s19 =	sadd.s32 $0x400, s0;
	s16 =	rddreg [dreg:$0xd]  }
0xf2: {  	[hbm:s13@s17], [sflag:s23] =	dma.strided [spmem:s16@s31], $0x80, s22, $0x10   }
0xf3: {  	s25 =	sadd.s32 $0x410, s0;
	s7 =	sadd.s32 $0x440, s0;
	s0 =	rddreg [dreg:$0xa]  }
0xf4: {  	[hbm:s0@s17], [sflag:s23] =	dma.strided [spmem:s3@s31], $0x80, s22, $0x10   }
0xf5: {  	[hbm:s12@s17], [sflag:s23] =	dma.strided [spmem:s2@s31], $0x80, s22, $0x10   }
0xf6: {  	[hbm:s21@s17], [sflag:s23] =	dma.strided [spmem:s1@s31], $0x80, s22, $0x10   }
0xf7: {  	s20 =	rddreg [dreg:$0xc]  }
0xf8: {  	[hbm:s20@s17], [sflag:s23] =	dma.strided [spmem:s15@s31], $0x80, s22, $0x10   }
0xf9: {  	[hbm:s19@s17], [sflag:s23] =	dma.strided [spmem:s8@s31], $0x80, s22, $0x10   }
0xfa: {  	s21 =	rddreg [dreg:$0x9]  }
0xfb: {  	[hbm:s25@s17], [sflag:s23] =	dma.strided [spmem:s21@s31], $0x80, s22, $0x10   }
0xfc: {  	[hbm:s10@s17], [sflag:s23] =	dma.strided [spmem:s6@s31], $0x80, s22, $0x10   }
0xfd: {  	[hbm:s5@s17], [sflag:s23] =	dma.strided [spmem:s18@s31], $0x80, s22, $0x10   }
0xfe: {  	s25 =	rddreg [dreg:$0xb]  }
0xff: {  	[hbm:s7@s17], [sflag:s23] =	dma.strided [spmem:s25@s31], $0x80, s22, $0x10   }
0x100: {  	s0 =	rddreg [dreg:$0x6]  }
0x101: {  	[hbm:s0@s17], [sflag:s23] =	dma.strided [spmem:s28@s31], $0x80, s22, $0x10   }
0x102: {  	s0 =	rddreg [dreg:$0x7]  }
0x103: {  	[hbm:s0@s17], [sflag:s23] =	dma.strided [spmem:s9@s31], $0x80, s22, $0x10   }
0x104: {  	s0 =	rddreg [dreg:$0x8]  }
0x105: {  	[hbm:s0@s17], [sflag:s23] =	dma.strided [spmem:s29@s31], $0x80, s22, $0x10   }
0x106: {  	v0 =	vld [tilespmem:s26+$0x0];
	_ =	sdelay $0x4  }
0x107: {  	v0 =	vshll.u32 v0, $0xC  }
0x108: {  	v0 =	vshra.s32 v0, $0x2  }
0x109: {  	v0 =	vadd.s32 s30, v0  }
0x10a: {  	v0 =	vshrl.u32 v0, $0x3  }
0x10b: {  	(v2sf) =	vpush v0, $0xE  }
0x10c: {  	(v2sf) =	vpush v0, $0xC  }
0x10d: {  	(v2sf) =	vpush v0, $0xA  }
0x10e: {  	(v2sf) =	vpush v0, $0x9  }
0x10f: {  	(v2sf) =	vpush v0, $0x8  }
0x110: {  	(v2sf) =	vpush v0, $0x7  }
0x111: {  	(v2sf) =	vpush v0, $0x6  }
0x112: {  	(v2sf) =	vpush v0, $0x5  }
0x113: {  	(v2sf) =	vpush v0, $0x4;
	_ =	sdelay $0x6  }
0x114: {  	s17 =	spop (v2sf)  }
0x115: {  	s18 =	spop (v2sf)  }
0x116: {  	(v2sf) =	vpush v0, $0x3;
	s19 =	spop (v2sf)  }
0x117: {  	p1 =	sne.s32 s24, $0x7800;
	(v2sf) =	vpush v0, $0x2;
	s20 =	spop (v2sf)  }
.Ltmp0:
0x118: {  	(v2sf) =	vpush v0, $0x0;
	s21 =	spop (v2sf);
	(pc) =	sbr.rel @p1 .LBB2_2-.Ltmp0, $4  }
0x119: {  	s28 =	smov.u32 s24;
	(v2sf) =	vpush v0, $0x1;
	s15 =	spop (v2sf)  }
0x11a: {  	s24 =	sadd.s32 $0x800, s24;
	s29 =	rddreg [dreg:$0x5];
	(v2sf) =	vpush v0, $0xB;
	s1 =	spop (v2sf)  }
0x11b: {  	s26 =	sadd.s32 $0x10, s26;
	s0 =	sadd.s32 s28, s29;
	(v2sf) =	vpush v0, $0xD;
	s2 =	spop (v2sf)  }
0x11c: {  	s4 =	sadd.s32 $0x10, s0;
	s5 =	sadd.s32 $0x430, s0;
	(v2sf) =	vpush v0, $0xF;
	s3 =	spop (v2sf)  }
0x11d: {  	_ =	sdelay $0x7  }
0x11e: {  	s9 =	spop (v2sf)  }
0x11f: {  	s7 =	spop (v2sf)  }
0x120: {  	s8 =	spop (v2sf)  }
0x121: {  	s14 =	simm.s32 $0x1;
	s6 =	simm.s32 $0x10;
	s10 =	spop (v2sf)  }
0x122: {  	s16 =	simm.s32 $0x80;
	s26 =	sadd.s32 $0x20, s0;
	s11 =	spop (v2sf)  }
0x123: {  	s28 =	sadd.s32 $0x30, s0;
	s29 =	sadd.s32 $0x40, s0;
	s12 =	spop (v2sf)  }
0x124: {  	s24 =	sadd.s32 $0x460, s0;
	s25 =	sadd.s32 $0x470, s0;
	s13 =	spop (v2sf)  }
0x125: {  	[hbm:s0@s16], [sflag:s23] =	dma.strided [spmem:s8@s6], $0x80, s14, $0x10   }
0x126: {  	[hbm:s4@s16], [sflag:s23] =	dma.strided [spmem:s10@s6], $0x80, s14, $0x10   }
0x127: {  	s8 =	sadd.s32 $0x70, s0;
	s4 =	sadd.s32 $0x50, s0;
	s10 =	sadd.s32 $0x410, s0  }
0x128: {  	[hbm:s26@s16], [sflag:s23] =	dma.strided [spmem:s7@s6], $0x80, s14, $0x10   }
0x129: {  	[hbm:s28@s16], [sflag:s23] =	dma.strided [spmem:s9@s6], $0x80, s14, $0x10   }
0x12a: {  	s7 =	sadd.s32 $0x60, s0;
	s26 =	simm.s32 $0x2;
	s9 =	sadd.s32 $0x400, s0  }
0x12b: {  	[hbm:s29@s16], [sflag:s23] =	dma.strided [spmem:s3@s6], $0x80, s14, $0x10   }
0x12c: {  	[hbm:s4@s16], [sflag:s23] =	dma.strided [spmem:s2@s6], $0x80, s14, $0x10   }
0x12d: {  	[hbm:s7@s16], [sflag:s23] =	dma.strided [spmem:s1@s6], $0x80, s14, $0x10   }
0x12e: {  	[hbm:s8@s16], [sflag:s23] =	dma.strided [spmem:s15@s6], $0x80, s14, $0x10   }
0x12f: {  	[hbm:s9@s16], [sflag:s23] =	dma.strided [spmem:s21@s6], $0x80, s14, $0x10   }
0x130: {  	[hbm:s10@s16], [sflag:s23] =	dma.strided [spmem:s20@s6], $0x80, s14, $0x10   }
0x131: {  	s15 =	sadd.s32 $0x420, s0;
	s21 =	sadd.s32 $0x450, s0;
	s20 =	sadd.s32 $0x440, s0  }
0x132: {  	[hbm:s15@s16], [sflag:s23] =	dma.strided [spmem:s19@s6], $0x80, s14, $0x10   }
0x133: {  	[hbm:s5@s16], [sflag:s23] =	dma.strided [spmem:s11@s6], $0x80, s14, $0x10   }
0x134: {  	[hbm:s20@s16], [sflag:s23] =	dma.strided [spmem:s18@s6], $0x80, s14, $0x10   }
0x135: {  	[hbm:s21@s16], [sflag:s23] =	dma.strided [spmem:s12@s6], $0x80, s14, $0x10   }
0x136: {  	[hbm:s24@s16], [sflag:s23] =	dma.strided [spmem:s17@s6], $0x80, s14, $0x10   }
0x137: {  	[hbm:s25@s16], [sflag:s23] =	dma.strided [spmem:s13@s6], $0x80, s14, $0x10   }
0x138: {  	_ =	swait.ge [sflag:s26], $0x8000  }
0x139: {  	s28 =	sld [smem:$0x7E3]  }
0x13a: {  	s29 =	sld [smem:$0x7E8];
	_ =	sdelay $0x1  }
0x13b: {  	s2 =	sadd.s32 $0x1, s28  }
0x13c: {  	p1 =	sne.s32 s2, s29  }
.Ltmp1:
0x13d: {  	_ = 	snop;
	(pc) =	sbr.rel @p1 .LBB2_1-.Ltmp1, $3  }
0x13e: {  	_ =	sdelay $0x1  }
0x13f: {  	[sflag:s26] =	ssyncset.done $0x0  }
0x140: {  	[sflag:s26] =	ssyncadd.s32 $0xFFFF8000  }
0x141: {  	_ =	sfence.sel $0x180000  }
0x142: {  	[bflag:$0x0] =	sbarrier.arrive $0xFFFF  }
0x143: {  	_ =	strace $0x90000047  }
0x144: {  	[bflag:$0x2] =	sbarrier.arrive $0xFFFF  }
0x145: {  	s0 =	rddreg [dreg:$0x4]  }
0x146: {  	s0 =	sadd.s32 @!p0 $0x100000, s0  }
0x147: {  	[sflag:s0] =	ssyncadd.tile.s32 @!p0 $0x1;
	_ =	shalt  }
.Lfunc_end2:
_tile_overlayer_lowered:
.L_overlay_start_2:
0x148: {  	(tag) =	ssettag $0x2  }
0x149: {  	s0 =	rddreg [dreg:$0x0];
	s2 =	stileid.u32  }
0x14a: {  	s1 =	rddreg [dreg:$0x1];
	p0 =	sne.s32 s2, $0x0  }
0x14b: {  	s3 =	rddreg [dreg:$0x2];
	[bflag:$0x3] =	sbarrier.arrive $0xFFFF;
	s2 =	simm.s32 @!p0 $0x1C03  }
0x14c: {  	[timem:s3], [sflag:s2] =	dma.local @!p0 [hbm:s0], s1  }
0x14d: {  	s0 =	simm.s32 @!p0 $0x3  }
0x14e: {  	_ =	swait.ge @!p0 [sflag:s0], s1  }
0x14f: {  	s1 =	ssub.s32 @!p0 $0x0, s1;
	[sflag:s0] =	ssyncset.done @!p0 $0x0  }
0x150: {  	[sflag:s0] =	ssyncadd.s32 @!p0 s1  }
0x151: {  	[bflag:$0x3] =	sbarrier.arrive $0xFFFF  }
0x152: {  	_ =	shalt  }

</sc_bundles>
